<compile_context>
chip_gen: v7x
topology: tpu7x:2x2x1
jax: 0.10.2.dev20260603
libtpu: 0.0.44.dev20260713+nightly
codegen_flags: <defaults>
</compile_context>

<pallas_src>
import functools

import jax
import jax.numpy as jnp
from jax import lax
from jax.experimental import pallas as pl
from jax.experimental.pallas import tpu as pltpu
from jax.experimental.pallas import tpu_sc as plsc

N = 10000
D = 128
H = 128
C = 64
E = 320000
NC, NS = 2, 16
NW = NC * NS
EPT = E // NW
K = 40
CH = EPT // K
RPT = N // NS
DW = 16


@functools.lru_cache(maxsize=1)
def _make_sc_aggregate():
    mesh = plsc.VectorSubcoreMesh(
        core_axis_name="c", subcore_axis_name="s",
        num_cores=NC, num_subcores=NS)
    return pl.kernel(
        _sc_aggregate_body,
        out_type=(jax.ShapeDtypeStruct((NC * N, D), jnp.float32),
                  jax.ShapeDtypeStruct((NC * N, DW), jnp.float32)),
        mesh=mesh,
        scratch_types=[
            pltpu.VMEM_SHARED((N, D), jnp.float32),
            pltpu.VMEM_SHARED((N, DW), jnp.float32),
            pltpu.VMEM((CH, K), jnp.int32),
            pltpu.VMEM((CH, K), jnp.int32),
            pltpu.VMEM((K, D), jnp.float32),
            pltpu.VMEM((K, D), jnp.float32),
            pltpu.VMEM((K, D), jnp.float32),
            pltpu.VMEM((K, DW), jnp.float32),
            pltpu.SemaphoreType.DMA,
            pltpu.SemaphoreType.DMA,
            pltpu.SemaphoreType.DMA,
            pltpu.SemaphoreType.DMA,
            pltpu.SemaphoreType.DMA,
            pltpu.SemaphoreType.DMA,
        ],
        compiler_params=pltpu.CompilerParams(use_tc_tiling_on_sc=False),
    )


def _sc_aggregate_body(x_hbm, src_hbm, dst_hbm, out_agg, out_deg,
                       agg_sh, deg_sh, src_v, dst_v, rows0, rows1, rows2,
                       ones_v, g0, g1, g2, s0, s1, s2):
    c = lax.axis_index("c")
    s = lax.axis_index("s")
    wid = s * NC + c
    rows = (rows0, rows1, rows2)
    gsem = (g0, g1, g2)
    ssem = (s0, s1, s2)

    def z16(ref, nrow, ncol, val):
        def body(i, _):
            r = i // (ncol // 16)
            col = (i % (ncol // 16)) * 16
            ref[r, pl.ds(col, 16)] = jnp.full((16,), val, jnp.float32)
            return 0
        lax.fori_loop(0, nrow * (ncol // 16), body, 0)

    z16(rows0, K, D, 0.0)
    z16(ones_v, K, DW, 0.0)

    base = s * RPT
    for b in range(RPT // K):
        pltpu.sync_copy(rows0, agg_sh.at[pl.ds(base + b * K, K)])
        pltpu.sync_copy(ones_v, deg_sh.at[pl.ds(base + b * K, K)])
    rem = RPT - (RPT // K) * K
    if rem:
        pltpu.sync_copy(rows0.at[pl.ds(0, rem)],
                        agg_sh.at[pl.ds(base + (RPT // K) * K, rem)])
        pltpu.sync_copy(ones_v.at[pl.ds(0, rem)],
                        deg_sh.at[pl.ds(base + (RPT // K) * K, rem)])
    z16(ones_v, K, DW, 1.0)

    pltpu.sync_copy(src_hbm.at[pl.ds(wid * CH, CH)], src_v)
    pltpu.sync_copy(dst_hbm.at[pl.ds(wid * CH, CH)], dst_v)

    pltpu.async_copy(x_hbm.at[src_v.at[0]], rows[0], gsem[0])

    plsc.subcore_barrier()

    def wait_scatter(j, r):
        pltpu.make_async_copy(rows[r], agg_sh.at[dst_v.at[j]],
                              ssem[r]).wait()
        pltpu.make_async_copy(ones_v, deg_sh.at[dst_v.at[j]],
                              ssem[r]).wait()

    def step(j, r, wait_prev_scatter, issue_next_gather):
        rn = (r + 1) % 3
        if wait_prev_scatter:
            wait_scatter(j - 2, rn)
        if issue_next_gather:
            pltpu.async_copy(x_hbm.at[src_v.at[j + 1]], rows[rn], gsem[rn])
        pltpu.make_async_copy(x_hbm.at[src_v.at[j]], rows[r], gsem[r]).wait()
        pltpu.async_copy(rows[r], agg_sh.at[dst_v.at[j]], ssem[r], add=True)
        pltpu.async_copy(ones_v, deg_sh.at[dst_v.at[j]], ssem[r], add=True)

    step(0, 0, False, True)
    step(1, 1, False, True)

    def loop_body(t, _):
        j = 2 + t * 3
        step(j, 2, True, True)
        step(j + 1, 0, True, True)
        step(j + 2, 1, True, True)
        return 0
    lax.fori_loop(0, (CH - 4) // 3, loop_body, 0)

    step(CH - 2, (CH - 2) % 3, True, True)
    step(CH - 1, (CH - 1) % 3, True, False)

    wait_scatter(CH - 2, (CH - 2) % 3)
    wait_scatter(CH - 1, (CH - 1) % 3)

    plsc.subcore_barrier()

    pltpu.sync_copy(agg_sh.at[pl.ds(base, RPT)],
                    out_agg.at[pl.ds(c * N + base, RPT)])
    pltpu.sync_copy(deg_sh.at[pl.ds(base, RPT)],
                    out_deg.at[pl.ds(c * N + base, RPT)])


BM = 1000


def _tc_body(a0, a1, d0, d1, xr, ws, wn, b1r, wo, bor, outr):
    deg = jnp.maximum(d0[:, 0:1] + d1[:, 0:1], 1.0)
    hn = (a0[...] + a1[...]) / deg
    h = (jnp.dot(xr[...], ws[...], preferred_element_type=jnp.float32)
         + jnp.dot(hn, wn[...], preferred_element_type=jnp.float32)
         + b1r[...])
    h = jnp.maximum(h, 0.0)
    outr[...] = jnp.dot(h, wo[...], preferred_element_type=jnp.float32) + bor[...]


def _tc_dense(parts, degs, x, ws, wn, b1, wo, bo):
    nb = N // BM
    return pl.pallas_call(
        _tc_body,
        grid=(nb,),
        in_specs=[
            pl.BlockSpec((BM, D), lambda i: (i, 0)),
            pl.BlockSpec((BM, D), lambda i: (i + nb, 0)),
            pl.BlockSpec((BM, DW), lambda i: (i, 0)),
            pl.BlockSpec((BM, DW), lambda i: (i + nb, 0)),
            pl.BlockSpec((BM, D), lambda i: (i, 0)),
            pl.BlockSpec((D, H), lambda i: (0, 0)),
            pl.BlockSpec((D, H), lambda i: (0, 0)),
            pl.BlockSpec((1, H), lambda i: (0, 0)),
            pl.BlockSpec((H, C), lambda i: (0, 0)),
            pl.BlockSpec((1, C), lambda i: (0, 0)),
        ],
        out_specs=pl.BlockSpec((BM, C), lambda i: (i, 0)),
        out_shape=jax.ShapeDtypeStruct((N, C), jnp.float32),
    )(parts, parts, degs, degs, x, ws, wn, b1.reshape(1, H), wo,
      bo.reshape(1, C))


def kernel(x, edge_index, W_self, W_neigh, b1, W_out, b_out):
    src = edge_index[0].reshape(NW * CH, K)
    dst = edge_index[1].reshape(NW * CH, K)
    parts, degs = _make_sc_aggregate()(x, src, dst)
    return _tc_dense(parts, degs, x, W_self, W_neigh, b1, W_out, b_out)

# --- scband reference (transcript-rebuilt; emitter-appended) ---
"""Pipeline reference for scband-sage-58136677319059 (READ-ONLY COPY).

The authoritative reference and input builder live on the scoring server;
editing this copy changes nothing except your own understanding.
"""

import jax, jax.numpy as jnp
import numpy as np

N = 10000
E = 320000
D = 128
H = 128
C = 64


def setup_inputs(seed: int = 0) -> dict:
    key = jax.random.key(seed)
    ks = jax.random.split(key, 8)
    x = jax.random.normal(ks[0], (N, D), dtype=jnp.float32)
    edge_index = jax.random.randint(ks[1], (2, E), 0, N, dtype=jnp.int32)
    # SAGEConv(mean) params: fc_self and fc_neigh (D -> H), shared bias
    W_self = jax.random.normal(ks[2], (D, H), dtype=jnp.float32) / np.sqrt(D)
    W_neigh = jax.random.normal(ks[3], (D, H), dtype=jnp.float32) / np.sqrt(D)
    b1 = jnp.zeros((H,), dtype=jnp.float32)
    # final Linear (H -> C)
    W_out = jax.random.normal(ks[4], (H, C), dtype=jnp.float32) / np.sqrt(H)
    b_out = jnp.zeros((C,), dtype=jnp.float32)
    return {"x": x, "edge_index": edge_index, "W_self": W_self, "W_neigh": W_neigh,
            "b1": b1, "W_out": W_out, "b_out": b_out}


def reference(x, edge_index, W_self, W_neigh, b1, W_out, b_out):
    src = edge_index[0]
    dst = edge_index[1]
    # gather source-node features along edges
    msg = jnp.take(x, src, axis=0)                               # [E, D]
    # mean aggregation: scatter-add then divide by in-degree
    agg = jax.ops.segment_sum(msg, dst, num_segments=N)          # [N, D]
    deg = jax.ops.segment_sum(jnp.ones((E,), x.dtype), dst, num_segments=N)
    h_neigh = agg / jnp.clip(deg, 1.0)[:, None]
    # DGL SAGEConv('mean'): h = fc_self(h_self) + fc_neigh(h_neigh) + bias
    h = x @ W_self + h_neigh @ W_neigh + b1
    h = jax.nn.relu(h)
    # dropout is identity in eval mode (p applied only in training)
    out = h @ W_out + b_out                                      # [N, C]
    return out

if __name__ == "__main__":
    import jax
    _d = setup_inputs()
    print(jax.jit(kernel)(*tuple(_d.values())))

</pallas_src>

<mosaic_0001>
#map = affine_map<(d0, d1) -> (0, 0)>
module attributes {stable_mosaic.version = 14 : i64} {
  func.func @_sc_aggregate_body(%arg0: i32, %arg1: i32, %arg2: memref<10000x128xf32, #tpu.memory_space<hbm>>, %arg3: memref<8000x40xi32, #tpu.memory_space<hbm>>, %arg4: memref<8000x40xi32, #tpu.memory_space<hbm>>, %arg5: memref<20000x128xf32, #tpu.memory_space<hbm>>, %arg6: memref<20000x16xf32, #tpu.memory_space<hbm>>, %arg7: memref<10000x128xf32, #tpu.memory_space<vmem_shared>>, %arg8: memref<10000x16xf32, #tpu.memory_space<vmem_shared>>, %arg9: memref<250x40xi32, #tpu.memory_space<vmem>>, %arg10: memref<250x40xi32, #tpu.memory_space<vmem>>, %arg11: memref<40x128xf32, #tpu.memory_space<vmem>>, %arg12: memref<40x128xf32, #tpu.memory_space<vmem>>, %arg13: memref<40x128xf32, #tpu.memory_space<vmem>>, %arg14: memref<40x16xf32, #tpu.memory_space<vmem>>, %arg15: memref<!tpu.dma_semaphore, #tpu.memory_space<semaphore_mem>>, %arg16: memref<!tpu.dma_semaphore, #tpu.memory_space<semaphore_mem>>, %arg17: memref<!tpu.dma_semaphore, #tpu.memory_space<semaphore_mem>>, %arg18: memref<!tpu.dma_semaphore, #tpu.memory_space<semaphore_mem>>, %arg19: memref<!tpu.dma_semaphore, #tpu.memory_space<semaphore_mem>>, %arg20: memref<!tpu.dma_semaphore, #tpu.memory_space<semaphore_mem>>) attributes {dimension_semantics = [#tpu.dimension_semantics<core_parallel>, #tpu.dimension_semantics<subcore_parallel>], iteration_bounds = array<i64: 2, 16>, scalar_prefetch = 0 : i64, scratch_operands = 14 : i64, tpu.core_type = #tpu.core_type<sc_vector_subcore>, window_params = [{transform_indices = #map}, {transform_indices = #map}, {transform_indices = #map}, {transform_indices = #map}, {transform_indices = #map}]} {
    %mul3A = arith.constant 2 : i32
    %mul3A_0 = arith.muli %arg1, %mul3A : i32
    %add3A = arith.addi %mul3A_0, %arg0 : i32
    %scan3A = arith.constant 0 : i32
    %scan3A_1 = arith.constant 0 : i32
    %scan3A_2 = arith.constant 320 : i32
    %scan3A_3 = arith.addi %scan3A_1, %scan3A_2 : i32
    %scan3A_4 = arith.constant 1 : i32
    %scan3A_5 = scf.for %scan3A_271 = %scan3A_1 to %scan3A_3 step %scan3A_4 iter_args(%scan3A_272 = %scan3A) -> (i32)  : i32 {
      %jit3A = arith.constant 8 : i32
      %div3A = arith.divsi %scan3A_271, %jit3A : i32
      %sign3A = arith.constant 0 : i32
      %sign3A_273 = arith.cmpi sgt, %scan3A_271, %sign3A : i32
      %sign3A_274 = arith.extui %sign3A_273 : i1 to i32
      %sign3A_275 = arith.constant 0 : i32
      %sign3A_276 = arith.cmpi slt, %scan3A_271, %sign3A_275 : i32
      %sign3A_277 = arith.extui %sign3A_276 : i1 to i32
      %sign3A_278 = arith.subi %sign3A_274, %sign3A_277 : i32
      %sign3A_279 = arith.constant 0 : i32
      %sign3A_280 = arith.cmpi sgt, %jit3A, %sign3A_279 : i32
      %sign3A_281 = arith.extui %sign3A_280 : i1 to i32
      %sign3A_282 = arith.constant 0 : i32
      %sign3A_283 = arith.cmpi slt, %jit3A, %sign3A_282 : i32
      %sign3A_284 = arith.extui %sign3A_283 : i1 to i32
      %sign3A_285 = arith.subi %sign3A_281, %sign3A_284 : i32
      %ne3A = arith.cmpi ne, %sign3A_278, %sign3A_285 : i32
      %rem3A = arith.remsi %scan3A_271, %jit3A : i32
      %ne3A_286 = arith.constant 0 : i32
      %ne3A_287 = arith.cmpi ne, %rem3A, %ne3A_286 : i32
      %and3A = arith.andi %ne3A, %ne3A_287 : i1
      %sub3A = arith.constant 1 : i32
      %sub3A_288 = arith.subi %div3A, %sub3A : i32
      %select_n3A = arith.select %and3A, %sub3A_288, %div3A : i32
      %jit3A_289 = arith.constant 8 : i32
      %eq3A = arith.constant 0 : i32
      %eq3A_290 = arith.cmpi eq, %jit3A_289, %eq3A : i32
      %jit3A_291 = arith.constant 1 : i32
      %select_n3A_292 = arith.select %eq3A_290, %jit3A_291, %jit3A_289 : i32
      %rem3A_293 = arith.remsi %scan3A_271, %select_n3A_292 : i32
      %ne3A_294 = arith.constant 0 : i32
      %ne3A_295 = arith.cmpi ne, %rem3A_293, %ne3A_294 : i32
      %lt3A = arith.constant 0 : i32
      %lt3A_296 = arith.cmpi slt, %rem3A_293, %lt3A : i32
      %lt3A_297 = arith.constant 0 : i32
      %lt3A_298 = arith.cmpi slt, %select_n3A_292, %lt3A_297 : i32
      %ne3A_299 = arith.xori %lt3A_296, %lt3A_298 : i1
      %and3A_300 = arith.andi %ne3A_299, %ne3A_295 : i1
      %add3A_301 = arith.addi %rem3A_293, %select_n3A_292 : i32
      %select_n3A_302 = arith.select %and3A_300, %add3A_301, %rem3A_293 : i32
      %mul3A_303 = arith.constant 16 : i32
      %mul3A_304 = arith.muli %select_n3A_302, %mul3A_303 : i32
      %broadcast_in_dim3A = arith.constant 0.000000e+00 : f32
      %broadcast_in_dim3A_305 = vector.broadcast %broadcast_in_dim3A : f32 to vector<16xf32>
      %swap3A = arith.index_cast %select_n3A : i32 to index
      %swap3A_306 = arith.index_cast %mul3A_304 : i32 to index
      %swap3A_307 = tpu.vector_load %arg11[%swap3A, %swap3A_306] {strides = array<i32>} : memref<40x128xf32, #tpu.memory_space<vmem>>, vector<1x16xf32>,
      %swap3A_308 = vector.shape_cast %swap3A_307 : vector<1x16xf32> to vector<16xf32>
      %swap3A_309 = vector.shape_cast %broadcast_in_dim3A_305 : vector<16xf32> to vector<1x16xf32>
      tpu.vector_store %arg11[%swap3A, %swap3A_306], %swap3A_309 {strides = array<i32>} : memref<40x128xf32, #tpu.memory_space<vmem>>, vector<1x16xf32>,
      %scan3A_310 = arith.constant 0 : i32
      scf.yield %scan3A_310 : i32
    }
    %scan3A_6 = arith.constant 320 : i32
    %scan3A_7 = arith.constant 0 : i32
    %scan3A_8 = arith.constant 0 : i32
    %scan3A_9 = arith.constant 40 : i32
    %scan3A_10 = arith.addi %scan3A_8, %scan3A_9 : i32
    %scan3A_11 = arith.constant 1 : i32
    %scan3A_12 = scf.for %scan3A_271 = %scan3A_8 to %scan3A_10 step %scan3A_11 iter_args(%scan3A_272 = %scan3A_7) -> (i32)  : i32 {
      %jit3A = arith.constant 1 : i32
      %div3A = arith.divsi %scan3A_271, %jit3A : i32
      %sign3A = arith.constant 0 : i32
      %sign3A_273 = arith.cmpi sgt, %scan3A_271, %sign3A : i32
      %sign3A_274 = arith.extui %sign3A_273 : i1 to i32
      %sign3A_275 = arith.constant 0 : i32
      %sign3A_276 = arith.cmpi slt, %scan3A_271, %sign3A_275 : i32
      %sign3A_277 = arith.extui %sign3A_276 : i1 to i32
      %sign3A_278 = arith.subi %sign3A_274, %sign3A_277 : i32
      %sign3A_279 = arith.constant 0 : i32
      %sign3A_280 = arith.cmpi sgt, %jit3A, %sign3A_279 : i32
      %sign3A_281 = arith.extui %sign3A_280 : i1 to i32
      %sign3A_282 = arith.constant 0 : i32
      %sign3A_283 = arith.cmpi slt, %jit3A, %sign3A_282 : i32
      %sign3A_284 = arith.extui %sign3A_283 : i1 to i32
      %sign3A_285 = arith.subi %sign3A_281, %sign3A_284 : i32
      %ne3A = arith.cmpi ne, %sign3A_278, %sign3A_285 : i32
      %rem3A = arith.remsi %scan3A_271, %jit3A : i32
      %ne3A_286 = arith.constant 0 : i32
      %ne3A_287 = arith.cmpi ne, %rem3A, %ne3A_286 : i32
      %and3A = arith.andi %ne3A, %ne3A_287 : i1
      %sub3A = arith.constant 1 : i32
      %sub3A_288 = arith.subi %div3A, %sub3A : i32
      %select_n3A = arith.select %and3A, %sub3A_288, %div3A : i32
      %jit3A_289 = arith.constant 1 : i32
      %eq3A = arith.constant 0 : i32
      %eq3A_290 = arith.cmpi eq, %jit3A_289, %eq3A : i32
      %jit3A_291 = arith.constant 1 : i32
      %select_n3A_292 = arith.select %eq3A_290, %jit3A_291, %jit3A_289 : i32
      %rem3A_293 = arith.remsi %scan3A_271, %select_n3A_292 : i32
      %ne3A_294 = arith.constant 0 : i32
      %ne3A_295 = arith.cmpi ne, %rem3A_293, %ne3A_294 : i32
      %lt3A = arith.constant 0 : i32
      %lt3A_296 = arith.cmpi slt, %rem3A_293, %lt3A : i32
      %lt3A_297 = arith.constant 0 : i32
      %lt3A_298 = arith.cmpi slt, %select_n3A_292, %lt3A_297 : i32
      %ne3A_299 = arith.xori %lt3A_296, %lt3A_298 : i1
      %and3A_300 = arith.andi %ne3A_299, %ne3A_295 : i1
      %add3A_301 = arith.addi %rem3A_293, %select_n3A_292 : i32
      %select_n3A_302 = arith.select %and3A_300, %add3A_301, %rem3A_293 : i32
      %mul3A_303 = arith.constant 16 : i32
      %mul3A_304 = arith.muli %select_n3A_302, %mul3A_303 : i32
      %broadcast_in_dim3A = arith.constant 0.000000e+00 : f32
      %broadcast_in_dim3A_305 = vector.broadcast %broadcast_in_dim3A : f32 to vector<16xf32>
      %swap3A = arith.index_cast %select_n3A : i32 to index
      %swap3A_306 = arith.index_cast %mul3A_304 : i32 to index
      %swap3A_307 = tpu.vector_load %arg14[%swap3A, %swap3A_306] {strides = array<i32>} : memref<40x16xf32, #tpu.memory_space<vmem>>, vector<1x16xf32>,
      %swap3A_308 = vector.shape_cast %swap3A_307 : vector<1x16xf32> to vector<16xf32>
      %swap3A_309 = vector.shape_cast %broadcast_in_dim3A_305 : vector<16xf32> to vector<1x16xf32>
      tpu.vector_store %arg14[%swap3A, %swap3A_306], %swap3A_309 {strides = array<i32>} : memref<40x16xf32, #tpu.memory_space<vmem>>, vector<1x16xf32>,
      %scan3A_310 = arith.constant 0 : i32
      scf.yield %scan3A_310 : i32
    }
    %scan3A_13 = arith.constant 40 : i32
    %mul3A_14 = arith.constant 625 : i32
    %mul3A_15 = arith.muli %arg1, %mul3A_14 : i32
    %add3A_16 = arith.constant 0 : i32
    %add3A_17 = arith.addi %mul3A_15, %add3A_16 : i32
    "tpu.region"() ({
      %run_scoped3A = tpu.sem_alloc : memref<!tpu.dma_semaphore, #tpu.memory_space<semaphore_mem>>
      %dma_start3A_271 = arith.constant 0 : i32
      %dma_start3A_272 = tpu.memref_slice %arg7[%add3A_17, %dma_start3A_271] : memref<10000x128xf32, #tpu.memory_space<vmem_shared>> -> memref<40x128xf32, #tpu.memory_space<vmem_shared>>
      %dma_start3A_273 = arith.constant 0 : i32
      %dma_start3A_274 = tpu.memref_slice %arg7[%add3A_17, %dma_start3A_273] : memref<10000x128xf32, #tpu.memory_space<vmem_shared>> -> memref<40x128xf32, #tpu.memory_space<vmem_shared>>
      tpu.enqueue_dma source(%arg11 : memref<40x128xf32, #tpu.memory_space<vmem>>) target(%dma_start3A_274 : memref<40x128xf32, #tpu.memory_space<vmem_shared>>) target_semaphore(%run_scoped3A : memref<!tpu.dma_semaphore, #tpu.memory_space<semaphore_mem>>)
      %dma_wait3A_275 = arith.constant 0 : i32
      %dma_wait3A_276 = tpu.memref_slice %arg7[%add3A_17, %dma_wait3A_275] : memref<10000x128xf32, #tpu.memory_space<vmem_shared>> -> memref<40x128xf32, #tpu.memory_space<vmem_shared>>
      %dma_wait3A_277 = arith.constant 0 : i32
      %dma_wait3A_278 = tpu.memref_slice %arg7[%add3A_17, %dma_wait3A_277] : memref<10000x128xf32, #tpu.memory_space<vmem_shared>> -> memref<40x128xf32, #tpu.memory_space<vmem_shared>>
      tpu.wait_dma2 semaphore(%run_scoped3A : memref<!tpu.dma_semaphore, #tpu.memory_space<semaphore_mem>>) src(%arg11 : memref<40x128xf32, #tpu.memory_space<vmem>>) dst(%dma_wait3A_278 : memref<40x128xf32, #tpu.memory_space<vmem_shared>>)
      tpu.yield
    }) : () -> ()
    %add3A_18 = arith.constant 0 : i32
    %add3A_19 = arith.addi %mul3A_15, %add3A_18 : i32
    "tpu.region"() ({
      %run_scoped3A = tpu.sem_alloc : memref<!tpu.dma_semaphore, #tpu.memory_space<semaphore_mem>>
      %dma_start3A_271 = arith.constant 0 : i32
      %dma_start3A_272 = tpu.memref_slice %arg8[%add3A_19, %dma_start3A_271] : memref<10000x16xf32, #tpu.memory_space<vmem_shared>> -> memref<40x16xf32, #tpu.memory_space<vmem_shared>>
      %dma_start3A_273 = arith.constant 0 : i32
      %dma_start3A_274 = tpu.memref_slice %arg8[%add3A_19, %dma_start3A_273] : memref<10000x16xf32, #tpu.memory_space<vmem_shared>> -> memref<40x16xf32, #tpu.memory_space<vmem_shared>>
      tpu.enqueue_dma source(%arg14 : memref<40x16xf32, #tpu.memory_space<vmem>>) target(%dma_start3A_274 : memref<40x16xf32, #tpu.memory_space<vmem_shared>>) target_semaphore(%run_scoped3A : memref<!tpu.dma_semaphore, #tpu.memory_space<semaphore_mem>>)
      %dma_wait3A_275 = arith.constant 0 : i32
      %dma_wait3A_276 = tpu.memref_slice %arg8[%add3A_19, %dma_wait3A_275] : memref<10000x16xf32, #tpu.memory_space<vmem_shared>> -> memref<40x16xf32, #tpu.memory_space<vmem_shared>>
      %dma_wait3A_277 = arith.constant 0 : i32
      %dma_wait3A_278 = tpu.memref_slice %arg8[%add3A_19, %dma_wait3A_277] : memref<10000x16xf32, #tpu.memory_space<vmem_shared>> -> memref<40x16xf32, #tpu.memory_space<vmem_shared>>
      tpu.wait_dma2 semaphore(%run_scoped3A : memref<!tpu.dma_semaphore, #tpu.memory_space<semaphore_mem>>) src(%arg14 : memref<40x16xf32, #tpu.memory_space<vmem>>) dst(%dma_wait3A_278 : memref<40x16xf32, #tpu.memory_space<vmem_shared>>)
      tpu.yield
    }) : () -> ()
    %add3A_20 = arith.constant 40 : i32
    %add3A_21 = arith.addi %mul3A_15, %add3A_20 : i32
    "tpu.region"() ({
      %run_scoped3A = tpu.sem_alloc : memref<!tpu.dma_semaphore, #tpu.memory_space<semaphore_mem>>
      %dma_start3A_271 = arith.constant 0 : i32
      %dma_start3A_272 = tpu.memref_slice %arg7[%add3A_21, %dma_start3A_271] : memref<10000x128xf32, #tpu.memory_space<vmem_shared>> -> memref<40x128xf32, #tpu.memory_space<vmem_shared>>
      %dma_start3A_273 = arith.constant 0 : i32
      %dma_start3A_274 = tpu.memref_slice %arg7[%add3A_21, %dma_start3A_273] : memref<10000x128xf32, #tpu.memory_space<vmem_shared>> -> memref<40x128xf32, #tpu.memory_space<vmem_shared>>
      tpu.enqueue_dma source(%arg11 : memref<40x128xf32, #tpu.memory_space<vmem>>) target(%dma_start3A_274 : memref<40x128xf32, #tpu.memory_space<vmem_shared>>) target_semaphore(%run_scoped3A : memref<!tpu.dma_semaphore, #tpu.memory_space<semaphore_mem>>)
      %dma_wait3A_275 = arith.constant 0 : i32
      %dma_wait3A_276 = tpu.memref_slice %arg7[%add3A_21, %dma_wait3A_275] : memref<10000x128xf32, #tpu.memory_space<vmem_shared>> -> memref<40x128xf32, #tpu.memory_space<vmem_shared>>
      %dma_wait3A_277 = arith.constant 0 : i32
      %dma_wait3A_278 = tpu.memref_slice %arg7[%add3A_21, %dma_wait3A_277] : memref<10000x128xf32, #tpu.memory_space<vmem_shared>> -> memref<40x128xf32, #tpu.memory_space<vmem_shared>>
      tpu.wait_dma2 semaphore(%run_scoped3A : memref<!tpu.dma_semaphore, #tpu.memory_space<semaphore_mem>>) src(%arg11 : memref<40x128xf32, #tpu.memory_space<vmem>>) dst(%dma_wait3A_278 : memref<40x128xf32, #tpu.memory_space<vmem_shared>>)
      tpu.yield
    }) : () -> ()
    %add3A_22 = arith.constant 40 : i32
    %add3A_23 = arith.addi %mul3A_15, %add3A_22 : i32
    "tpu.region"() ({
      %run_scoped3A = tpu.sem_alloc : memref<!tpu.dma_semaphore, #tpu.memory_space<semaphore_mem>>
      %dma_start3A_271 = arith.constant 0 : i32
      %dma_start3A_272 = tpu.memref_slice %arg8[%add3A_23, %dma_start3A_271] : memref<10000x16xf32, #tpu.memory_space<vmem_shared>> -> memref<40x16xf32, #tpu.memory_space<vmem_shared>>
      %dma_start3A_273 = arith.constant 0 : i32
      %dma_start3A_274 = tpu.memref_slice %arg8[%add3A_23, %dma_start3A_273] : memref<10000x16xf32, #tpu.memory_space<vmem_shared>> -> memref<40x16xf32, #tpu.memory_space<vmem_shared>>
      tpu.enqueue_dma source(%arg14 : memref<40x16xf32, #tpu.memory_space<vmem>>) target(%dma_start3A_274 : memref<40x16xf32, #tpu.memory_space<vmem_shared>>) target_semaphore(%run_scoped3A : memref<!tpu.dma_semaphore, #tpu.memory_space<semaphore_mem>>)
      %dma_wait3A_275 = arith.constant 0 : i32
      %dma_wait3A_276 = tpu.memref_slice %arg8[%add3A_23, %dma_wait3A_275] : memref<10000x16xf32, #tpu.memory_space<vmem_shared>> -> memref<40x16xf32, #tpu.memory_space<vmem_shared>>
      %dma_wait3A_277 = arith.constant 0 : i32
      %dma_wait3A_278 = tpu.memref_slice %arg8[%add3A_23, %dma_wait3A_277] : memref<10000x16xf32, #tpu.memory_space<vmem_shared>> -> memref<40x16xf32, #tpu.memory_space<vmem_shared>>
      tpu.wait_dma2 semaphore(%run_scoped3A : memref<!tpu.dma_semaphore, #tpu.memory_space<semaphore_mem>>) src(%arg14 : memref<40x16xf32, #tpu.memory_space<vmem>>) dst(%dma_wait3A_278 : memref<40x16xf32, #tpu.memory_space<vmem_shared>>)
      tpu.yield
    }) : () -> ()
    %add3A_24 = arith.constant 80 : i32
    %add3A_25 = arith.addi %mul3A_15, %add3A_24 : i32
    "tpu.region"() ({
      %run_scoped3A = tpu.sem_alloc : memref<!tpu.dma_semaphore, #tpu.memory_space<semaphore_mem>>
      %dma_start3A_271 = arith.constant 0 : i32
      %dma_start3A_272 = tpu.memref_slice %arg7[%add3A_25, %dma_start3A_271] : memref<10000x128xf32, #tpu.memory_space<vmem_shared>> -> memref<40x128xf32, #tpu.memory_space<vmem_shared>>
      %dma_start3A_273 = arith.constant 0 : i32
      %dma_start3A_274 = tpu.memref_slice %arg7[%add3A_25, %dma_start3A_273] : memref<10000x128xf32, #tpu.memory_space<vmem_shared>> -> memref<40x128xf32, #tpu.memory_space<vmem_shared>>
      tpu.enqueue_dma source(%arg11 : memref<40x128xf32, #tpu.memory_space<vmem>>) target(%dma_start3A_274 : memref<40x128xf32, #tpu.memory_space<vmem_shared>>) target_semaphore(%run_scoped3A : memref<!tpu.dma_semaphore, #tpu.memory_space<semaphore_mem>>)
      %dma_wait3A_275 = arith.constant 0 : i32
      %dma_wait3A_276 = tpu.memref_slice %arg7[%add3A_25, %dma_wait3A_275] : memref<10000x128xf32, #tpu.memory_space<vmem_shared>> -> memref<40x128xf32, #tpu.memory_space<vmem_shared>>
      %dma_wait3A_277 = arith.constant 0 : i32
      %dma_wait3A_278 = tpu.memref_slice %arg7[%add3A_25, %dma_wait3A_277] : memref<10000x128xf32, #tpu.memory_space<vmem_shared>> -> memref<40x128xf32, #tpu.memory_space<vmem_shared>>
      tpu.wait_dma2 semaphore(%run_scoped3A : memref<!tpu.dma_semaphore, #tpu.memory_space<semaphore_mem>>) src(%arg11 : memref<40x128xf32, #tpu.memory_space<vmem>>) dst(%dma_wait3A_278 : memref<40x128xf32, #tpu.memory_space<vmem_shared>>)
      tpu.yield
    }) : () -> ()
    %add3A_26 = arith.constant 80 : i32
    %add3A_27 = arith.addi %mul3A_15, %add3A_26 : i32
    "tpu.region"() ({
      %run_scoped3A = tpu.sem_alloc : memref<!tpu.dma_semaphore, #tpu.memory_space<semaphore_mem>>
      %dma_start3A_271 = arith.constant 0 : i32
      %dma_start3A_272 = tpu.memref_slice %arg8[%add3A_27, %dma_start3A_271] : memref<10000x16xf32, #tpu.memory_space<vmem_shared>> -> memref<40x16xf32, #tpu.memory_space<vmem_shared>>
      %dma_start3A_273 = arith.constant 0 : i32
      %dma_start3A_274 = tpu.memref_slice %arg8[%add3A_27, %dma_start3A_273] : memref<10000x16xf32, #tpu.memory_space<vmem_shared>> -> memref<40x16xf32, #tpu.memory_space<vmem_shared>>
      tpu.enqueue_dma source(%arg14 : memref<40x16xf32, #tpu.memory_space<vmem>>) target(%dma_start3A_274 : memref<40x16xf32, #tpu.memory_space<vmem_shared>>) target_semaphore(%run_scoped3A : memref<!tpu.dma_semaphore, #tpu.memory_space<semaphore_mem>>)
      %dma_wait3A_275 = arith.constant 0 : i32
      %dma_wait3A_276 = tpu.memref_slice %arg8[%add3A_27, %dma_wait3A_275] : memref<10000x16xf32, #tpu.memory_space<vmem_shared>> -> memref<40x16xf32, #tpu.memory_space<vmem_shared>>
      %dma_wait3A_277 = arith.constant 0 : i32
      %dma_wait3A_278 = tpu.memref_slice %arg8[%add3A_27, %dma_wait3A_277] : memref<10000x16xf32, #tpu.memory_space<vmem_shared>> -> memref<40x16xf32, #tpu.memory_space<vmem_shared>>
      tpu.wait_dma2 semaphore(%run_scoped3A : memref<!tpu.dma_semaphore, #tpu.memory_space<semaphore_mem>>) src(%arg14 : memref<40x16xf32, #tpu.memory_space<vmem>>) dst(%dma_wait3A_278 : memref<40x16xf32, #tpu.memory_space<vmem_shared>>)
      tpu.yield
    }) : () -> ()
    %add3A_28 = arith.constant 120 : i32
    %add3A_29 = arith.addi %mul3A_15, %add3A_28 : i32
    "tpu.region"() ({
      %run_scoped3A = tpu.sem_alloc : memref<!tpu.dma_semaphore, #tpu.memory_space<semaphore_mem>>
      %dma_start3A_271 = arith.constant 0 : i32
      %dma_start3A_272 = tpu.memref_slice %arg7[%add3A_29, %dma_start3A_271] : memref<10000x128xf32, #tpu.memory_space<vmem_shared>> -> memref<40x128xf32, #tpu.memory_space<vmem_shared>>
      %dma_start3A_273 = arith.constant 0 : i32
      %dma_start3A_274 = tpu.memref_slice %arg7[%add3A_29, %dma_start3A_273] : memref<10000x128xf32, #tpu.memory_space<vmem_shared>> -> memref<40x128xf32, #tpu.memory_space<vmem_shared>>
      tpu.enqueue_dma source(%arg11 : memref<40x128xf32, #tpu.memory_space<vmem>>) target(%dma_start3A_274 : memref<40x128xf32, #tpu.memory_space<vmem_shared>>) target_semaphore(%run_scoped3A : memref<!tpu.dma_semaphore, #tpu.memory_space<semaphore_mem>>)
      %dma_wait3A_275 = arith.constant 0 : i32
      %dma_wait3A_276 = tpu.memref_slice %arg7[%add3A_29, %dma_wait3A_275] : memref<10000x128xf32, #tpu.memory_space<vmem_shared>> -> memref<40x128xf32, #tpu.memory_space<vmem_shared>>
      %dma_wait3A_277 = arith.constant 0 : i32
      %dma_wait3A_278 = tpu.memref_slice %arg7[%add3A_29, %dma_wait3A_277] : memref<10000x128xf32, #tpu.memory_space<vmem_shared>> -> memref<40x128xf32, #tpu.memory_space<vmem_shared>>
      tpu.wait_dma2 semaphore(%run_scoped3A : memref<!tpu.dma_semaphore, #tpu.memory_space<semaphore_mem>>) src(%arg11 : memref<40x128xf32, #tpu.memory_space<vmem>>) dst(%dma_wait3A_278 : memref<40x128xf32, #tpu.memory_space<vmem_shared>>)
      tpu.yield
    }) : () -> ()
    %add3A_30 = arith.constant 120 : i32
    %add3A_31 = arith.addi %mul3A_15, %add3A_30 : i32
    "tpu.region"() ({
      %run_scoped3A = tpu.sem_alloc : memref<!tpu.dma_semaphore, #tpu.memory_space<semaphore_mem>>
      %dma_start3A_271 = arith.constant 0 : i32
      %dma_start3A_272 = tpu.memref_slice %arg8[%add3A_31, %dma_start3A_271] : memref<10000x16xf32, #tpu.memory_space<vmem_shared>> -> memref<40x16xf32, #tpu.memory_space<vmem_shared>>
      %dma_start3A_273 = arith.constant 0 : i32
      %dma_start3A_274 = tpu.memref_slice %arg8[%add3A_31, %dma_start3A_273] : memref<10000x16xf32, #tpu.memory_space<vmem_shared>> -> memref<40x16xf32, #tpu.memory_space<vmem_shared>>
      tpu.enqueue_dma source(%arg14 : memref<40x16xf32, #tpu.memory_space<vmem>>) target(%dma_start3A_274 : memref<40x16xf32, #tpu.memory_space<vmem_shared>>) target_semaphore(%run_scoped3A : memref<!tpu.dma_semaphore, #tpu.memory_space<semaphore_mem>>)
      %dma_wait3A_275 = arith.constant 0 : i32
      %dma_wait3A_276 = tpu.memref_slice %arg8[%add3A_31, %dma_wait3A_275] : memref<10000x16xf32, #tpu.memory_space<vmem_shared>> -> memref<40x16xf32, #tpu.memory_space<vmem_shared>>
      %dma_wait3A_277 = arith.constant 0 : i32
      %dma_wait3A_278 = tpu.memref_slice %arg8[%add3A_31, %dma_wait3A_277] : memref<10000x16xf32, #tpu.memory_space<vmem_shared>> -> memref<40x16xf32, #tpu.memory_space<vmem_shared>>
      tpu.wait_dma2 semaphore(%run_scoped3A : memref<!tpu.dma_semaphore, #tpu.memory_space<semaphore_mem>>) src(%arg14 : memref<40x16xf32, #tpu.memory_space<vmem>>) dst(%dma_wait3A_278 : memref<40x16xf32, #tpu.memory_space<vmem_shared>>)
      tpu.yield
    }) : () -> ()
    %add3A_32 = arith.constant 160 : i32
    %add3A_33 = arith.addi %mul3A_15, %add3A_32 : i32
    "tpu.region"() ({
      %run_scoped3A = tpu.sem_alloc : memref<!tpu.dma_semaphore, #tpu.memory_space<semaphore_mem>>
      %dma_start3A_271 = arith.constant 0 : i32
      %dma_start3A_272 = tpu.memref_slice %arg7[%add3A_33, %dma_start3A_271] : memref<10000x128xf32, #tpu.memory_space<vmem_shared>> -> memref<40x128xf32, #tpu.memory_space<vmem_shared>>
      %dma_start3A_273 = arith.constant 0 : i32
      %dma_start3A_274 = tpu.memref_slice %arg7[%add3A_33, %dma_start3A_273] : memref<10000x128xf32, #tpu.memory_space<vmem_shared>> -> memref<40x128xf32, #tpu.memory_space<vmem_shared>>
      tpu.enqueue_dma source(%arg11 : memref<40x128xf32, #tpu.memory_space<vmem>>) target(%dma_start3A_274 : memref<40x128xf32, #tpu.memory_space<vmem_shared>>) target_semaphore(%run_scoped3A : memref<!tpu.dma_semaphore, #tpu.memory_space<semaphore_mem>>)
      %dma_wait3A_275 = arith.constant 0 : i32
      %dma_wait3A_276 = tpu.memref_slice %arg7[%add3A_33, %dma_wait3A_275] : memref<10000x128xf32, #tpu.memory_space<vmem_shared>> -> memref<40x128xf32, #tpu.memory_space<vmem_shared>>
      %dma_wait3A_277 = arith.constant 0 : i32
      %dma_wait3A_278 = tpu.memref_slice %arg7[%add3A_33, %dma_wait3A_277] : memref<10000x128xf32, #tpu.memory_space<vmem_shared>> -> memref<40x128xf32, #tpu.memory_space<vmem_shared>>
      tpu.wait_dma2 semaphore(%run_scoped3A : memref<!tpu.dma_semaphore, #tpu.memory_space<semaphore_mem>>) src(%arg11 : memref<40x128xf32, #tpu.memory_space<vmem>>) dst(%dma_wait3A_278 : memref<40x128xf32, #tpu.memory_space<vmem_shared>>)
      tpu.yield
    }) : () -> ()
    %add3A_34 = arith.constant 160 : i32
    %add3A_35 = arith.addi %mul3A_15, %add3A_34 : i32
    "tpu.region"() ({
      %run_scoped3A = tpu.sem_alloc : memref<!tpu.dma_semaphore, #tpu.memory_space<semaphore_mem>>
      %dma_start3A_271 = arith.constant 0 : i32
      %dma_start3A_272 = tpu.memref_slice %arg8[%add3A_35, %dma_start3A_271] : memref<10000x16xf32, #tpu.memory_space<vmem_shared>> -> memref<40x16xf32, #tpu.memory_space<vmem_shared>>
      %dma_start3A_273 = arith.constant 0 : i32
      %dma_start3A_274 = tpu.memref_slice %arg8[%add3A_35, %dma_start3A_273] : memref<10000x16xf32, #tpu.memory_space<vmem_shared>> -> memref<40x16xf32, #tpu.memory_space<vmem_shared>>
      tpu.enqueue_dma source(%arg14 : memref<40x16xf32, #tpu.memory_space<vmem>>) target(%dma_start3A_274 : memref<40x16xf32, #tpu.memory_space<vmem_shared>>) target_semaphore(%run_scoped3A : memref<!tpu.dma_semaphore, #tpu.memory_space<semaphore_mem>>)
      %dma_wait3A_275 = arith.constant 0 : i32
      %dma_wait3A_276 = tpu.memref_slice %arg8[%add3A_35, %dma_wait3A_275] : memref<10000x16xf32, #tpu.memory_space<vmem_shared>> -> memref<40x16xf32, #tpu.memory_space<vmem_shared>>
      %dma_wait3A_277 = arith.constant 0 : i32
      %dma_wait3A_278 = tpu.memref_slice %arg8[%add3A_35, %dma_wait3A_277] : memref<10000x16xf32, #tpu.memory_space<vmem_shared>> -> memref<40x16xf32, #tpu.memory_space<vmem_shared>>
      tpu.wait_dma2 semaphore(%run_scoped3A : memref<!tpu.dma_semaphore, #tpu.memory_space<semaphore_mem>>) src(%arg14 : memref<40x16xf32, #tpu.memory_space<vmem>>) dst(%dma_wait3A_278 : memref<40x16xf32, #tpu.memory_space<vmem_shared>>)
      tpu.yield
    }) : () -> ()
    %add3A_36 = arith.constant 200 : i32
    %add3A_37 = arith.addi %mul3A_15, %add3A_36 : i32
    "tpu.region"() ({
      %run_scoped3A = tpu.sem_alloc : memref<!tpu.dma_semaphore, #tpu.memory_space<semaphore_mem>>
      %dma_start3A_271 = arith.constant 0 : i32
      %dma_start3A_272 = tpu.memref_slice %arg7[%add3A_37, %dma_start3A_271] : memref<10000x128xf32, #tpu.memory_space<vmem_shared>> -> memref<40x128xf32, #tpu.memory_space<vmem_shared>>
      %dma_start3A_273 = arith.constant 0 : i32
      %dma_start3A_274 = tpu.memref_slice %arg7[%add3A_37, %dma_start3A_273] : memref<10000x128xf32, #tpu.memory_space<vmem_shared>> -> memref<40x128xf32, #tpu.memory_space<vmem_shared>>
      tpu.enqueue_dma source(%arg11 : memref<40x128xf32, #tpu.memory_space<vmem>>) target(%dma_start3A_274 : memref<40x128xf32, #tpu.memory_space<vmem_shared>>) target_semaphore(%run_scoped3A : memref<!tpu.dma_semaphore, #tpu.memory_space<semaphore_mem>>)
      %dma_wait3A_275 = arith.constant 0 : i32
      %dma_wait3A_276 = tpu.memref_slice %arg7[%add3A_37, %dma_wait3A_275] : memref<10000x128xf32, #tpu.memory_space<vmem_shared>> -> memref<40x128xf32, #tpu.memory_space<vmem_shared>>
      %dma_wait3A_277 = arith.constant 0 : i32
      %dma_wait3A_278 = tpu.memref_slice %arg7[%add3A_37, %dma_wait3A_277] : memref<10000x128xf32, #tpu.memory_space<vmem_shared>> -> memref<40x128xf32, #tpu.memory_space<vmem_shared>>
      tpu.wait_dma2 semaphore(%run_scoped3A : memref<!tpu.dma_semaphore, #tpu.memory_space<semaphore_mem>>) src(%arg11 : memref<40x128xf32, #tpu.memory_space<vmem>>) dst(%dma_wait3A_278 : memref<40x128xf32, #tpu.memory_space<vmem_shared>>)
      tpu.yield
    }) : () -> ()
    %add3A_38 = arith.constant 200 : i32
    %add3A_39 = arith.addi %mul3A_15, %add3A_38 : i32
    "tpu.region"() ({
      %run_scoped3A = tpu.sem_alloc : memref<!tpu.dma_semaphore, #tpu.memory_space<semaphore_mem>>
      %dma_start3A_271 = arith.constant 0 : i32
      %dma_start3A_272 = tpu.memref_slice %arg8[%add3A_39, %dma_start3A_271] : memref<10000x16xf32, #tpu.memory_space<vmem_shared>> -> memref<40x16xf32, #tpu.memory_space<vmem_shared>>
      %dma_start3A_273 = arith.constant 0 : i32
      %dma_start3A_274 = tpu.memref_slice %arg8[%add3A_39, %dma_start3A_273] : memref<10000x16xf32, #tpu.memory_space<vmem_shared>> -> memref<40x16xf32, #tpu.memory_space<vmem_shared>>
      tpu.enqueue_dma source(%arg14 : memref<40x16xf32, #tpu.memory_space<vmem>>) target(%dma_start3A_274 : memref<40x16xf32, #tpu.memory_space<vmem_shared>>) target_semaphore(%run_scoped3A : memref<!tpu.dma_semaphore, #tpu.memory_space<semaphore_mem>>)
      %dma_wait3A_275 = arith.constant 0 : i32
      %dma_wait3A_276 = tpu.memref_slice %arg8[%add3A_39, %dma_wait3A_275] : memref<10000x16xf32, #tpu.memory_space<vmem_shared>> -> memref<40x16xf32, #tpu.memory_space<vmem_shared>>
      %dma_wait3A_277 = arith.constant 0 : i32
      %dma_wait3A_278 = tpu.memref_slice %arg8[%add3A_39, %dma_wait3A_277] : memref<10000x16xf32, #tpu.memory_space<vmem_shared>> -> memref<40x16xf32, #tpu.memory_space<vmem_shared>>
      tpu.wait_dma2 semaphore(%run_scoped3A : memref<!tpu.dma_semaphore, #tpu.memory_space<semaphore_mem>>) src(%arg14 : memref<40x16xf32, #tpu.memory_space<vmem>>) dst(%dma_wait3A_278 : memref<40x16xf32, #tpu.memory_space<vmem_shared>>)
      tpu.yield
    }) : () -> ()
    %add3A_40 = arith.constant 240 : i32
    %add3A_41 = arith.addi %mul3A_15, %add3A_40 : i32
    "tpu.region"() ({
      %run_scoped3A = tpu.sem_alloc : memref<!tpu.dma_semaphore, #tpu.memory_space<semaphore_mem>>
      %dma_start3A_271 = arith.constant 0 : i32
      %dma_start3A_272 = tpu.memref_slice %arg7[%add3A_41, %dma_start3A_271] : memref<10000x128xf32, #tpu.memory_space<vmem_shared>> -> memref<40x128xf32, #tpu.memory_space<vmem_shared>>
      %dma_start3A_273 = arith.constant 0 : i32
      %dma_start3A_274 = tpu.memref_slice %arg7[%add3A_41, %dma_start3A_273] : memref<10000x128xf32, #tpu.memory_space<vmem_shared>> -> memref<40x128xf32, #tpu.memory_space<vmem_shared>>
      tpu.enqueue_dma source(%arg11 : memref<40x128xf32, #tpu.memory_space<vmem>>) target(%dma_start3A_274 : memref<40x128xf32, #tpu.memory_space<vmem_shared>>) target_semaphore(%run_scoped3A : memref<!tpu.dma_semaphore, #tpu.memory_space<semaphore_mem>>)
      %dma_wait3A_275 = arith.constant 0 : i32
      %dma_wait3A_276 = tpu.memref_slice %arg7[%add3A_41, %dma_wait3A_275] : memref<10000x128xf32, #tpu.memory_space<vmem_shared>> -> memref<40x128xf32, #tpu.memory_space<vmem_shared>>
      %dma_wait3A_277 = arith.constant 0 : i32
      %dma_wait3A_278 = tpu.memref_slice %arg7[%add3A_41, %dma_wait3A_277] : memref<10000x128xf32, #tpu.memory_space<vmem_shared>> -> memref<40x128xf32, #tpu.memory_space<vmem_shared>>
      tpu.wait_dma2 semaphore(%run_scoped3A : memref<!tpu.dma_semaphore, #tpu.memory_space<semaphore_mem>>) src(%arg11 : memref<40x128xf32, #tpu.memory_space<vmem>>) dst(%dma_wait3A_278 : memref<40x128xf32, #tpu.memory_space<vmem_shared>>)
      tpu.yield
    }) : () -> ()
    %add3A_42 = arith.constant 240 : i32
    %add3A_43 = arith.addi %mul3A_15, %add3A_42 : i32
    "tpu.region"() ({
      %run_scoped3A = tpu.sem_alloc : memref<!tpu.dma_semaphore, #tpu.memory_space<semaphore_mem>>
      %dma_start3A_271 = arith.constant 0 : i32
      %dma_start3A_272 = tpu.memref_slice %arg8[%add3A_43, %dma_start3A_271] : memref<10000x16xf32, #tpu.memory_space<vmem_shared>> -> memref<40x16xf32, #tpu.memory_space<vmem_shared>>
      %dma_start3A_273 = arith.constant 0 : i32
      %dma_start3A_274 = tpu.memref_slice %arg8[%add3A_43, %dma_start3A_273] : memref<10000x16xf32, #tpu.memory_space<vmem_shared>> -> memref<40x16xf32, #tpu.memory_space<vmem_shared>>
      tpu.enqueue_dma source(%arg14 : memref<40x16xf32, #tpu.memory_space<vmem>>) target(%dma_start3A_274 : memref<40x16xf32, #tpu.memory_space<vmem_shared>>) target_semaphore(%run_scoped3A : memref<!tpu.dma_semaphore, #tpu.memory_space<semaphore_mem>>)
      %dma_wait3A_275 = arith.constant 0 : i32
      %dma_wait3A_276 = tpu.memref_slice %arg8[%add3A_43, %dma_wait3A_275] : memref<10000x16xf32, #tpu.memory_space<vmem_shared>> -> memref<40x16xf32, #tpu.memory_space<vmem_shared>>
      %dma_wait3A_277 = arith.constant 0 : i32
      %dma_wait3A_278 = tpu.memref_slice %arg8[%add3A_43, %dma_wait3A_277] : memref<10000x16xf32, #tpu.memory_space<vmem_shared>> -> memref<40x16xf32, #tpu.memory_space<vmem_shared>>
      tpu.wait_dma2 semaphore(%run_scoped3A : memref<!tpu.dma_semaphore, #tpu.memory_space<semaphore_mem>>) src(%arg14 : memref<40x16xf32, #tpu.memory_space<vmem>>) dst(%dma_wait3A_278 : memref<40x16xf32, #tpu.memory_space<vmem_shared>>)
      tpu.yield
    }) : () -> ()
    %add3A_44 = arith.constant 280 : i32
    %add3A_45 = arith.addi %mul3A_15, %add3A_44 : i32
    "tpu.region"() ({
      %run_scoped3A = tpu.sem_alloc : memref<!tpu.dma_semaphore, #tpu.memory_space<semaphore_mem>>
      %dma_start3A_271 = arith.constant 0 : i32
      %dma_start3A_272 = tpu.memref_slice %arg7[%add3A_45, %dma_start3A_271] : memref<10000x128xf32, #tpu.memory_space<vmem_shared>> -> memref<40x128xf32, #tpu.memory_space<vmem_shared>>
      %dma_start3A_273 = arith.constant 0 : i32
      %dma_start3A_274 = tpu.memref_slice %arg7[%add3A_45, %dma_start3A_273] : memref<10000x128xf32, #tpu.memory_space<vmem_shared>> -> memref<40x128xf32, #tpu.memory_space<vmem_shared>>
      tpu.enqueue_dma source(%arg11 : memref<40x128xf32, #tpu.memory_space<vmem>>) target(%dma_start3A_274 : memref<40x128xf32, #tpu.memory_space<vmem_shared>>) target_semaphore(%run_scoped3A : memref<!tpu.dma_semaphore, #tpu.memory_space<semaphore_mem>>)
      %dma_wait3A_275 = arith.constant 0 : i32
      %dma_wait3A_276 = tpu.memref_slice %arg7[%add3A_45, %dma_wait3A_275] : memref<10000x128xf32, #tpu.memory_space<vmem_shared>> -> memref<40x128xf32, #tpu.memory_space<vmem_shared>>
      %dma_wait3A_277 = arith.constant 0 : i32
      %dma_wait3A_278 = tpu.memref_slice %arg7[%add3A_45, %dma_wait3A_277] : memref<10000x128xf32, #tpu.memory_space<vmem_shared>> -> memref<40x128xf32, #tpu.memory_space<vmem_shared>>
      tpu.wait_dma2 semaphore(%run_scoped3A : memref<!tpu.dma_semaphore, #tpu.memory_space<semaphore_mem>>) src(%arg11 : memref<40x128xf32, #tpu.memory_space<vmem>>) dst(%dma_wait3A_278 : memref<40x128xf32, #tpu.memory_space<vmem_shared>>)
      tpu.yield
    }) : () -> ()
    %add3A_46 = arith.constant 280 : i32
    %add3A_47 = arith.addi %mul3A_15, %add3A_46 : i32
    "tpu.region"() ({
      %run_scoped3A = tpu.sem_alloc : memref<!tpu.dma_semaphore, #tpu.memory_space<semaphore_mem>>
      %dma_start3A_271 = arith.constant 0 : i32
      %dma_start3A_272 = tpu.memref_slice %arg8[%add3A_47, %dma_start3A_271] : memref<10000x16xf32, #tpu.memory_space<vmem_shared>> -> memref<40x16xf32, #tpu.memory_space<vmem_shared>>
      %dma_start3A_273 = arith.constant 0 : i32
      %dma_start3A_274 = tpu.memref_slice %arg8[%add3A_47, %dma_start3A_273] : memref<10000x16xf32, #tpu.memory_space<vmem_shared>> -> memref<40x16xf32, #tpu.memory_space<vmem_shared>>
      tpu.enqueue_dma source(%arg14 : memref<40x16xf32, #tpu.memory_space<vmem>>) target(%dma_start3A_274 : memref<40x16xf32, #tpu.memory_space<vmem_shared>>) target_semaphore(%run_scoped3A : memref<!tpu.dma_semaphore, #tpu.memory_space<semaphore_mem>>)
      %dma_wait3A_275 = arith.constant 0 : i32
      %dma_wait3A_276 = tpu.memref_slice %arg8[%add3A_47, %dma_wait3A_275] : memref<10000x16xf32, #tpu.memory_space<vmem_shared>> -> memref<40x16xf32, #tpu.memory_space<vmem_shared>>
      %dma_wait3A_277 = arith.constant 0 : i32
      %dma_wait3A_278 = tpu.memref_slice %arg8[%add3A_47, %dma_wait3A_277] : memref<10000x16xf32, #tpu.memory_space<vmem_shared>> -> memref<40x16xf32, #tpu.memory_space<vmem_shared>>
      tpu.wait_dma2 semaphore(%run_scoped3A : memref<!tpu.dma_semaphore, #tpu.memory_space<semaphore_mem>>) src(%arg14 : memref<40x16xf32, #tpu.memory_space<vmem>>) dst(%dma_wait3A_278 : memref<40x16xf32, #tpu.memory_space<vmem_shared>>)
      tpu.yield
    }) : () -> ()
    %add3A_48 = arith.constant 320 : i32
    %add3A_49 = arith.addi %mul3A_15, %add3A_48 : i32
    "tpu.region"() ({
      %run_scoped3A = tpu.sem_alloc : memref<!tpu.dma_semaphore, #tpu.memory_space<semaphore_mem>>
      %dma_start3A_271 = arith.constant 0 : i32
      %dma_start3A_272 = tpu.memref_slice %arg7[%add3A_49, %dma_start3A_271] : memref<10000x128xf32, #tpu.memory_space<vmem_shared>> -> memref<40x128xf32, #tpu.memory_space<vmem_shared>>
      %dma_start3A_273 = arith.constant 0 : i32
      %dma_start3A_274 = tpu.memref_slice %arg7[%add3A_49, %dma_start3A_273] : memref<10000x128xf32, #tpu.memory_space<vmem_shared>> -> memref<40x128xf32, #tpu.memory_space<vmem_shared>>
      tpu.enqueue_dma source(%arg11 : memref<40x128xf32, #tpu.memory_space<vmem>>) target(%dma_start3A_274 : memref<40x128xf32, #tpu.memory_space<vmem_shared>>) target_semaphore(%run_scoped3A : memref<!tpu.dma_semaphore, #tpu.memory_space<semaphore_mem>>)
      %dma_wait3A_275 = arith.constant 0 : i32
      %dma_wait3A_276 = tpu.memref_slice %arg7[%add3A_49, %dma_wait3A_275] : memref<10000x128xf32, #tpu.memory_space<vmem_shared>> -> memref<40x128xf32, #tpu.memory_space<vmem_shared>>
      %dma_wait3A_277 = arith.constant 0 : i32
      %dma_wait3A_278 = tpu.memref_slice %arg7[%add3A_49, %dma_wait3A_277] : memref<10000x128xf32, #tpu.memory_space<vmem_shared>> -> memref<40x128xf32, #tpu.memory_space<vmem_shared>>
      tpu.wait_dma2 semaphore(%run_scoped3A : memref<!tpu.dma_semaphore, #tpu.memory_space<semaphore_mem>>) src(%arg11 : memref<40x128xf32, #tpu.memory_space<vmem>>) dst(%dma_wait3A_278 : memref<40x128xf32, #tpu.memory_space<vmem_shared>>)
      tpu.yield
    }) : () -> ()
    %add3A_50 = arith.constant 320 : i32
    %add3A_51 = arith.addi %mul3A_15, %add3A_50 : i32
    "tpu.region"() ({
      %run_scoped3A = tpu.sem_alloc : memref<!tpu.dma_semaphore, #tpu.memory_space<semaphore_mem>>
      %dma_start3A_271 = arith.constant 0 : i32
      %dma_start3A_272 = tpu.memref_slice %arg8[%add3A_51, %dma_start3A_271] : memref<10000x16xf32, #tpu.memory_space<vmem_shared>> -> memref<40x16xf32, #tpu.memory_space<vmem_shared>>
      %dma_start3A_273 = arith.constant 0 : i32
      %dma_start3A_274 = tpu.memref_slice %arg8[%add3A_51, %dma_start3A_273] : memref<10000x16xf32, #tpu.memory_space<vmem_shared>> -> memref<40x16xf32, #tpu.memory_space<vmem_shared>>
      tpu.enqueue_dma source(%arg14 : memref<40x16xf32, #tpu.memory_space<vmem>>) target(%dma_start3A_274 : memref<40x16xf32, #tpu.memory_space<vmem_shared>>) target_semaphore(%run_scoped3A : memref<!tpu.dma_semaphore, #tpu.memory_space<semaphore_mem>>)
      %dma_wait3A_275 = arith.constant 0 : i32
      %dma_wait3A_276 = tpu.memref_slice %arg8[%add3A_51, %dma_wait3A_275] : memref<10000x16xf32, #tpu.memory_space<vmem_shared>> -> memref<40x16xf32, #tpu.memory_space<vmem_shared>>
      %dma_wait3A_277 = arith.constant 0 : i32
      %dma_wait3A_278 = tpu.memref_slice %arg8[%add3A_51, %dma_wait3A_277] : memref<10000x16xf32, #tpu.memory_space<vmem_shared>> -> memref<40x16xf32, #tpu.memory_space<vmem_shared>>
      tpu.wait_dma2 semaphore(%run_scoped3A : memref<!tpu.dma_semaphore, #tpu.memory_space<semaphore_mem>>) src(%arg14 : memref<40x16xf32, #tpu.memory_space<vmem>>) dst(%dma_wait3A_278 : memref<40x16xf32, #tpu.memory_space<vmem_shared>>)
      tpu.yield
    }) : () -> ()
    %add3A_52 = arith.constant 360 : i32
    %add3A_53 = arith.addi %mul3A_15, %add3A_52 : i32
    "tpu.region"() ({
      %run_scoped3A = tpu.sem_alloc : memref<!tpu.dma_semaphore, #tpu.memory_space<semaphore_mem>>
      %dma_start3A_271 = arith.constant 0 : i32
      %dma_start3A_272 = tpu.memref_slice %arg7[%add3A_53, %dma_start3A_271] : memref<10000x128xf32, #tpu.memory_space<vmem_shared>> -> memref<40x128xf32, #tpu.memory_space<vmem_shared>>
      %dma_start3A_273 = arith.constant 0 : i32
      %dma_start3A_274 = tpu.memref_slice %arg7[%add3A_53, %dma_start3A_273] : memref<10000x128xf32, #tpu.memory_space<vmem_shared>> -> memref<40x128xf32, #tpu.memory_space<vmem_shared>>
      tpu.enqueue_dma source(%arg11 : memref<40x128xf32, #tpu.memory_space<vmem>>) target(%dma_start3A_274 : memref<40x128xf32, #tpu.memory_space<vmem_shared>>) target_semaphore(%run_scoped3A : memref<!tpu.dma_semaphore, #tpu.memory_space<semaphore_mem>>)
      %dma_wait3A_275 = arith.constant 0 : i32
      %dma_wait3A_276 = tpu.memref_slice %arg7[%add3A_53, %dma_wait3A_275] : memref<10000x128xf32, #tpu.memory_space<vmem_shared>> -> memref<40x128xf32, #tpu.memory_space<vmem_shared>>
      %dma_wait3A_277 = arith.constant 0 : i32
      %dma_wait3A_278 = tpu.memref_slice %arg7[%add3A_53, %dma_wait3A_277] : memref<10000x128xf32, #tpu.memory_space<vmem_shared>> -> memref<40x128xf32, #tpu.memory_space<vmem_shared>>
      tpu.wait_dma2 semaphore(%run_scoped3A : memref<!tpu.dma_semaphore, #tpu.memory_space<semaphore_mem>>) src(%arg11 : memref<40x128xf32, #tpu.memory_space<vmem>>) dst(%dma_wait3A_278 : memref<40x128xf32, #tpu.memory_space<vmem_shared>>)
      tpu.yield
    }) : () -> ()
    %add3A_54 = arith.constant 360 : i32
    %add3A_55 = arith.addi %mul3A_15, %add3A_54 : i32
    "tpu.region"() ({
      %run_scoped3A = tpu.sem_alloc : memref<!tpu.dma_semaphore, #tpu.memory_space<semaphore_mem>>
      %dma_start3A_271 = arith.constant 0 : i32
      %dma_start3A_272 = tpu.memref_slice %arg8[%add3A_55, %dma_start3A_271] : memref<10000x16xf32, #tpu.memory_space<vmem_shared>> -> memref<40x16xf32, #tpu.memory_space<vmem_shared>>
      %dma_start3A_273 = arith.constant 0 : i32
      %dma_start3A_274 = tpu.memref_slice %arg8[%add3A_55, %dma_start3A_273] : memref<10000x16xf32, #tpu.memory_space<vmem_shared>> -> memref<40x16xf32, #tpu.memory_space<vmem_shared>>
      tpu.enqueue_dma source(%arg14 : memref<40x16xf32, #tpu.memory_space<vmem>>) target(%dma_start3A_274 : memref<40x16xf32, #tpu.memory_space<vmem_shared>>) target_semaphore(%run_scoped3A : memref<!tpu.dma_semaphore, #tpu.memory_space<semaphore_mem>>)
      %dma_wait3A_275 = arith.constant 0 : i32
      %dma_wait3A_276 = tpu.memref_slice %arg8[%add3A_55, %dma_wait3A_275] : memref<10000x16xf32, #tpu.memory_space<vmem_shared>> -> memref<40x16xf32, #tpu.memory_space<vmem_shared>>
      %dma_wait3A_277 = arith.constant 0 : i32
      %dma_wait3A_278 = tpu.memref_slice %arg8[%add3A_55, %dma_wait3A_277] : memref<10000x16xf32, #tpu.memory_space<vmem_shared>> -> memref<40x16xf32, #tpu.memory_space<vmem_shared>>
      tpu.wait_dma2 semaphore(%run_scoped3A : memref<!tpu.dma_semaphore, #tpu.memory_space<semaphore_mem>>) src(%arg14 : memref<40x16xf32, #tpu.memory_space<vmem>>) dst(%dma_wait3A_278 : memref<40x16xf32, #tpu.memory_space<vmem_shared>>)
      tpu.yield
    }) : () -> ()
    %add3A_56 = arith.constant 400 : i32
    %add3A_57 = arith.addi %mul3A_15, %add3A_56 : i32
    "tpu.region"() ({
      %run_scoped3A = tpu.sem_alloc : memref<!tpu.dma_semaphore, #tpu.memory_space<semaphore_mem>>
      %dma_start3A_271 = arith.constant 0 : i32
      %dma_start3A_272 = tpu.memref_slice %arg7[%add3A_57, %dma_start3A_271] : memref<10000x128xf32, #tpu.memory_space<vmem_shared>> -> memref<40x128xf32, #tpu.memory_space<vmem_shared>>
      %dma_start3A_273 = arith.constant 0 : i32
      %dma_start3A_274 = tpu.memref_slice %arg7[%add3A_57, %dma_start3A_273] : memref<10000x128xf32, #tpu.memory_space<vmem_shared>> -> memref<40x128xf32, #tpu.memory_space<vmem_shared>>
      tpu.enqueue_dma source(%arg11 : memref<40x128xf32, #tpu.memory_space<vmem>>) target(%dma_start3A_274 : memref<40x128xf32, #tpu.memory_space<vmem_shared>>) target_semaphore(%run_scoped3A : memref<!tpu.dma_semaphore, #tpu.memory_space<semaphore_mem>>)
      %dma_wait3A_275 = arith.constant 0 : i32
      %dma_wait3A_276 = tpu.memref_slice %arg7[%add3A_57, %dma_wait3A_275] : memref<10000x128xf32, #tpu.memory_space<vmem_shared>> -> memref<40x128xf32, #tpu.memory_space<vmem_shared>>
      %dma_wait3A_277 = arith.constant 0 : i32
      %dma_wait3A_278 = tpu.memref_slice %arg7[%add3A_57, %dma_wait3A_277] : memref<10000x128xf32, #tpu.memory_space<vmem_shared>> -> memref<40x128xf32, #tpu.memory_space<vmem_shared>>
      tpu.wait_dma2 semaphore(%run_scoped3A : memref<!tpu.dma_semaphore, #tpu.memory_space<semaphore_mem>>) src(%arg11 : memref<40x128xf32, #tpu.memory_space<vmem>>) dst(%dma_wait3A_278 : memref<40x128xf32, #tpu.memory_space<vmem_shared>>)
      tpu.yield
    }) : () -> ()
    %add3A_58 = arith.constant 400 : i32
    %add3A_59 = arith.addi %mul3A_15, %add3A_58 : i32
    "tpu.region"() ({
      %run_scoped3A = tpu.sem_alloc : memref<!tpu.dma_semaphore, #tpu.memory_space<semaphore_mem>>
      %dma_start3A_271 = arith.constant 0 : i32
      %dma_start3A_272 = tpu.memref_slice %arg8[%add3A_59, %dma_start3A_271] : memref<10000x16xf32, #tpu.memory_space<vmem_shared>> -> memref<40x16xf32, #tpu.memory_space<vmem_shared>>
      %dma_start3A_273 = arith.constant 0 : i32
      %dma_start3A_274 = tpu.memref_slice %arg8[%add3A_59, %dma_start3A_273] : memref<10000x16xf32, #tpu.memory_space<vmem_shared>> -> memref<40x16xf32, #tpu.memory_space<vmem_shared>>
      tpu.enqueue_dma source(%arg14 : memref<40x16xf32, #tpu.memory_space<vmem>>) target(%dma_start3A_274 : memref<40x16xf32, #tpu.memory_space<vmem_shared>>) target_semaphore(%run_scoped3A : memref<!tpu.dma_semaphore, #tpu.memory_space<semaphore_mem>>)
      %dma_wait3A_275 = arith.constant 0 : i32
      %dma_wait3A_276 = tpu.memref_slice %arg8[%add3A_59, %dma_wait3A_275] : memref<10000x16xf32, #tpu.memory_space<vmem_shared>> -> memref<40x16xf32, #tpu.memory_space<vmem_shared>>
      %dma_wait3A_277 = arith.constant 0 : i32
      %dma_wait3A_278 = tpu.memref_slice %arg8[%add3A_59, %dma_wait3A_277] : memref<10000x16xf32, #tpu.memory_space<vmem_shared>> -> memref<40x16xf32, #tpu.memory_space<vmem_shared>>
      tpu.wait_dma2 semaphore(%run_scoped3A : memref<!tpu.dma_semaphore, #tpu.memory_space<semaphore_mem>>) src(%arg14 : memref<40x16xf32, #tpu.memory_space<vmem>>) dst(%dma_wait3A_278 : memref<40x16xf32, #tpu.memory_space<vmem_shared>>)
      tpu.yield
    }) : () -> ()
    %add3A_60 = arith.constant 440 : i32
    %add3A_61 = arith.addi %mul3A_15, %add3A_60 : i32
    "tpu.region"() ({
      %run_scoped3A = tpu.sem_alloc : memref<!tpu.dma_semaphore, #tpu.memory_space<semaphore_mem>>
      %dma_start3A_271 = arith.constant 0 : i32
      %dma_start3A_272 = tpu.memref_slice %arg7[%add3A_61, %dma_start3A_271] : memref<10000x128xf32, #tpu.memory_space<vmem_shared>> -> memref<40x128xf32, #tpu.memory_space<vmem_shared>>
      %dma_start3A_273 = arith.constant 0 : i32
      %dma_start3A_274 = tpu.memref_slice %arg7[%add3A_61, %dma_start3A_273] : memref<10000x128xf32, #tpu.memory_space<vmem_shared>> -> memref<40x128xf32, #tpu.memory_space<vmem_shared>>
      tpu.enqueue_dma source(%arg11 : memref<40x128xf32, #tpu.memory_space<vmem>>) target(%dma_start3A_274 : memref<40x128xf32, #tpu.memory_space<vmem_shared>>) target_semaphore(%run_scoped3A : memref<!tpu.dma_semaphore, #tpu.memory_space<semaphore_mem>>)
      %dma_wait3A_275 = arith.constant 0 : i32
      %dma_wait3A_276 = tpu.memref_slice %arg7[%add3A_61, %dma_wait3A_275] : memref<10000x128xf32, #tpu.memory_space<vmem_shared>> -> memref<40x128xf32, #tpu.memory_space<vmem_shared>>
      %dma_wait3A_277 = arith.constant 0 : i32
      %dma_wait3A_278 = tpu.memref_slice %arg7[%add3A_61, %dma_wait3A_277] : memref<10000x128xf32, #tpu.memory_space<vmem_shared>> -> memref<40x128xf32, #tpu.memory_space<vmem_shared>>
      tpu.wait_dma2 semaphore(%run_scoped3A : memref<!tpu.dma_semaphore, #tpu.memory_space<semaphore_mem>>) src(%arg11 : memref<40x128xf32, #tpu.memory_space<vmem>>) dst(%dma_wait3A_278 : memref<40x128xf32, #tpu.memory_space<vmem_shared>>)
      tpu.yield
    }) : () -> ()
    %add3A_62 = arith.constant 440 : i32
    %add3A_63 = arith.addi %mul3A_15, %add3A_62 : i32
    "tpu.region"() ({
      %run_scoped3A = tpu.sem_alloc : memref<!tpu.dma_semaphore, #tpu.memory_space<semaphore_mem>>
      %dma_start3A_271 = arith.constant 0 : i32
      %dma_start3A_272 = tpu.memref_slice %arg8[%add3A_63, %dma_start3A_271] : memref<10000x16xf32, #tpu.memory_space<vmem_shared>> -> memref<40x16xf32, #tpu.memory_space<vmem_shared>>
      %dma_start3A_273 = arith.constant 0 : i32
      %dma_start3A_274 = tpu.memref_slice %arg8[%add3A_63, %dma_start3A_273] : memref<10000x16xf32, #tpu.memory_space<vmem_shared>> -> memref<40x16xf32, #tpu.memory_space<vmem_shared>>
      tpu.enqueue_dma source(%arg14 : memref<40x16xf32, #tpu.memory_space<vmem>>) target(%dma_start3A_274 : memref<40x16xf32, #tpu.memory_space<vmem_shared>>) target_semaphore(%run_scoped3A : memref<!tpu.dma_semaphore, #tpu.memory_space<semaphore_mem>>)
      %dma_wait3A_275 = arith.constant 0 : i32
      %dma_wait3A_276 = tpu.memref_slice %arg8[%add3A_63, %dma_wait3A_275] : memref<10000x16xf32, #tpu.memory_space<vmem_shared>> -> memref<40x16xf32, #tpu.memory_space<vmem_shared>>
      %dma_wait3A_277 = arith.constant 0 : i32
      %dma_wait3A_278 = tpu.memref_slice %arg8[%add3A_63, %dma_wait3A_277] : memref<10000x16xf32, #tpu.memory_space<vmem_shared>> -> memref<40x16xf32, #tpu.memory_space<vmem_shared>>
      tpu.wait_dma2 semaphore(%run_scoped3A : memref<!tpu.dma_semaphore, #tpu.memory_space<semaphore_mem>>) src(%arg14 : memref<40x16xf32, #tpu.memory_space<vmem>>) dst(%dma_wait3A_278 : memref<40x16xf32, #tpu.memory_space<vmem_shared>>)
      tpu.yield
    }) : () -> ()
    %add3A_64 = arith.constant 480 : i32
    %add3A_65 = arith.addi %mul3A_15, %add3A_64 : i32
    "tpu.region"() ({
      %run_scoped3A = tpu.sem_alloc : memref<!tpu.dma_semaphore, #tpu.memory_space<semaphore_mem>>
      %dma_start3A_271 = arith.constant 0 : i32
      %dma_start3A_272 = tpu.memref_slice %arg7[%add3A_65, %dma_start3A_271] : memref<10000x128xf32, #tpu.memory_space<vmem_shared>> -> memref<40x128xf32, #tpu.memory_space<vmem_shared>>
      %dma_start3A_273 = arith.constant 0 : i32
      %dma_start3A_274 = tpu.memref_slice %arg7[%add3A_65, %dma_start3A_273] : memref<10000x128xf32, #tpu.memory_space<vmem_shared>> -> memref<40x128xf32, #tpu.memory_space<vmem_shared>>
      tpu.enqueue_dma source(%arg11 : memref<40x128xf32, #tpu.memory_space<vmem>>) target(%dma_start3A_274 : memref<40x128xf32, #tpu.memory_space<vmem_shared>>) target_semaphore(%run_scoped3A : memref<!tpu.dma_semaphore, #tpu.memory_space<semaphore_mem>>)
      %dma_wait3A_275 = arith.constant 0 : i32
      %dma_wait3A_276 = tpu.memref_slice %arg7[%add3A_65, %dma_wait3A_275] : memref<10000x128xf32, #tpu.memory_space<vmem_shared>> -> memref<40x128xf32, #tpu.memory_space<vmem_shared>>
      %dma_wait3A_277 = arith.constant 0 : i32
      %dma_wait3A_278 = tpu.memref_slice %arg7[%add3A_65, %dma_wait3A_277] : memref<10000x128xf32, #tpu.memory_space<vmem_shared>> -> memref<40x128xf32, #tpu.memory_space<vmem_shared>>
      tpu.wait_dma2 semaphore(%run_scoped3A : memref<!tpu.dma_semaphore, #tpu.memory_space<semaphore_mem>>) src(%arg11 : memref<40x128xf32, #tpu.memory_space<vmem>>) dst(%dma_wait3A_278 : memref<40x128xf32, #tpu.memory_space<vmem_shared>>)
      tpu.yield
    }) : () -> ()
    %add3A_66 = arith.constant 480 : i32
    %add3A_67 = arith.addi %mul3A_15, %add3A_66 : i32
    "tpu.region"() ({
      %run_scoped3A = tpu.sem_alloc : memref<!tpu.dma_semaphore, #tpu.memory_space<semaphore_mem>>
      %dma_start3A_271 = arith.constant 0 : i32
      %dma_start3A_272 = tpu.memref_slice %arg8[%add3A_67, %dma_start3A_271] : memref<10000x16xf32, #tpu.memory_space<vmem_shared>> -> memref<40x16xf32, #tpu.memory_space<vmem_shared>>
      %dma_start3A_273 = arith.constant 0 : i32
      %dma_start3A_274 = tpu.memref_slice %arg8[%add3A_67, %dma_start3A_273] : memref<10000x16xf32, #tpu.memory_space<vmem_shared>> -> memref<40x16xf32, #tpu.memory_space<vmem_shared>>
      tpu.enqueue_dma source(%arg14 : memref<40x16xf32, #tpu.memory_space<vmem>>) target(%dma_start3A_274 : memref<40x16xf32, #tpu.memory_space<vmem_shared>>) target_semaphore(%run_scoped3A : memref<!tpu.dma_semaphore, #tpu.memory_space<semaphore_mem>>)
      %dma_wait3A_275 = arith.constant 0 : i32
      %dma_wait3A_276 = tpu.memref_slice %arg8[%add3A_67, %dma_wait3A_275] : memref<10000x16xf32, #tpu.memory_space<vmem_shared>> -> memref<40x16xf32, #tpu.memory_space<vmem_shared>>
      %dma_wait3A_277 = arith.constant 0 : i32
      %dma_wait3A_278 = tpu.memref_slice %arg8[%add3A_67, %dma_wait3A_277] : memref<10000x16xf32, #tpu.memory_space<vmem_shared>> -> memref<40x16xf32, #tpu.memory_space<vmem_shared>>
      tpu.wait_dma2 semaphore(%run_scoped3A : memref<!tpu.dma_semaphore, #tpu.memory_space<semaphore_mem>>) src(%arg14 : memref<40x16xf32, #tpu.memory_space<vmem>>) dst(%dma_wait3A_278 : memref<40x16xf32, #tpu.memory_space<vmem_shared>>)
      tpu.yield
    }) : () -> ()
    %add3A_68 = arith.constant 520 : i32
    %add3A_69 = arith.addi %mul3A_15, %add3A_68 : i32
    "tpu.region"() ({
      %run_scoped3A = tpu.sem_alloc : memref<!tpu.dma_semaphore, #tpu.memory_space<semaphore_mem>>
      %dma_start3A_271 = arith.constant 0 : i32
      %dma_start3A_272 = tpu.memref_slice %arg7[%add3A_69, %dma_start3A_271] : memref<10000x128xf32, #tpu.memory_space<vmem_shared>> -> memref<40x128xf32, #tpu.memory_space<vmem_shared>>
      %dma_start3A_273 = arith.constant 0 : i32
      %dma_start3A_274 = tpu.memref_slice %arg7[%add3A_69, %dma_start3A_273] : memref<10000x128xf32, #tpu.memory_space<vmem_shared>> -> memref<40x128xf32, #tpu.memory_space<vmem_shared>>
      tpu.enqueue_dma source(%arg11 : memref<40x128xf32, #tpu.memory_space<vmem>>) target(%dma_start3A_274 : memref<40x128xf32, #tpu.memory_space<vmem_shared>>) target_semaphore(%run_scoped3A : memref<!tpu.dma_semaphore, #tpu.memory_space<semaphore_mem>>)
      %dma_wait3A_275 = arith.constant 0 : i32
      %dma_wait3A_276 = tpu.memref_slice %arg7[%add3A_69, %dma_wait3A_275] : memref<10000x128xf32, #tpu.memory_space<vmem_shared>> -> memref<40x128xf32, #tpu.memory_space<vmem_shared>>
      %dma_wait3A_277 = arith.constant 0 : i32
      %dma_wait3A_278 = tpu.memref_slice %arg7[%add3A_69, %dma_wait3A_277] : memref<10000x128xf32, #tpu.memory_space<vmem_shared>> -> memref<40x128xf32, #tpu.memory_space<vmem_shared>>
      tpu.wait_dma2 semaphore(%run_scoped3A : memref<!tpu.dma_semaphore, #tpu.memory_space<semaphore_mem>>) src(%arg11 : memref<40x128xf32, #tpu.memory_space<vmem>>) dst(%dma_wait3A_278 : memref<40x128xf32, #tpu.memory_space<vmem_shared>>)
      tpu.yield
    }) : () -> ()
    %add3A_70 = arith.constant 520 : i32
    %add3A_71 = arith.addi %mul3A_15, %add3A_70 : i32
    "tpu.region"() ({
      %run_scoped3A = tpu.sem_alloc : memref<!tpu.dma_semaphore, #tpu.memory_space<semaphore_mem>>
      %dma_start3A_271 = arith.constant 0 : i32
      %dma_start3A_272 = tpu.memref_slice %arg8[%add3A_71, %dma_start3A_271] : memref<10000x16xf32, #tpu.memory_space<vmem_shared>> -> memref<40x16xf32, #tpu.memory_space<vmem_shared>>
      %dma_start3A_273 = arith.constant 0 : i32
      %dma_start3A_274 = tpu.memref_slice %arg8[%add3A_71, %dma_start3A_273] : memref<10000x16xf32, #tpu.memory_space<vmem_shared>> -> memref<40x16xf32, #tpu.memory_space<vmem_shared>>
      tpu.enqueue_dma source(%arg14 : memref<40x16xf32, #tpu.memory_space<vmem>>) target(%dma_start3A_274 : memref<40x16xf32, #tpu.memory_space<vmem_shared>>) target_semaphore(%run_scoped3A : memref<!tpu.dma_semaphore, #tpu.memory_space<semaphore_mem>>)
      %dma_wait3A_275 = arith.constant 0 : i32
      %dma_wait3A_276 = tpu.memref_slice %arg8[%add3A_71, %dma_wait3A_275] : memref<10000x16xf32, #tpu.memory_space<vmem_shared>> -> memref<40x16xf32, #tpu.memory_space<vmem_shared>>
      %dma_wait3A_277 = arith.constant 0 : i32
      %dma_wait3A_278 = tpu.memref_slice %arg8[%add3A_71, %dma_wait3A_277] : memref<10000x16xf32, #tpu.memory_space<vmem_shared>> -> memref<40x16xf32, #tpu.memory_space<vmem_shared>>
      tpu.wait_dma2 semaphore(%run_scoped3A : memref<!tpu.dma_semaphore, #tpu.memory_space<semaphore_mem>>) src(%arg14 : memref<40x16xf32, #tpu.memory_space<vmem>>) dst(%dma_wait3A_278 : memref<40x16xf32, #tpu.memory_space<vmem_shared>>)
      tpu.yield
    }) : () -> ()
    %add3A_72 = arith.constant 560 : i32
    %add3A_73 = arith.addi %mul3A_15, %add3A_72 : i32
    "tpu.region"() ({
      %run_scoped3A = tpu.sem_alloc : memref<!tpu.dma_semaphore, #tpu.memory_space<semaphore_mem>>
      %dma_start3A_271 = arith.constant 0 : i32
      %dma_start3A_272 = tpu.memref_slice %arg7[%add3A_73, %dma_start3A_271] : memref<10000x128xf32, #tpu.memory_space<vmem_shared>> -> memref<40x128xf32, #tpu.memory_space<vmem_shared>>
      %dma_start3A_273 = arith.constant 0 : i32
      %dma_start3A_274 = tpu.memref_slice %arg7[%add3A_73, %dma_start3A_273] : memref<10000x128xf32, #tpu.memory_space<vmem_shared>> -> memref<40x128xf32, #tpu.memory_space<vmem_shared>>
      tpu.enqueue_dma source(%arg11 : memref<40x128xf32, #tpu.memory_space<vmem>>) target(%dma_start3A_274 : memref<40x128xf32, #tpu.memory_space<vmem_shared>>) target_semaphore(%run_scoped3A : memref<!tpu.dma_semaphore, #tpu.memory_space<semaphore_mem>>)
      %dma_wait3A_275 = arith.constant 0 : i32
      %dma_wait3A_276 = tpu.memref_slice %arg7[%add3A_73, %dma_wait3A_275] : memref<10000x128xf32, #tpu.memory_space<vmem_shared>> -> memref<40x128xf32, #tpu.memory_space<vmem_shared>>
      %dma_wait3A_277 = arith.constant 0 : i32
      %dma_wait3A_278 = tpu.memref_slice %arg7[%add3A_73, %dma_wait3A_277] : memref<10000x128xf32, #tpu.memory_space<vmem_shared>> -> memref<40x128xf32, #tpu.memory_space<vmem_shared>>
      tpu.wait_dma2 semaphore(%run_scoped3A : memref<!tpu.dma_semaphore, #tpu.memory_space<semaphore_mem>>) src(%arg11 : memref<40x128xf32, #tpu.memory_space<vmem>>) dst(%dma_wait3A_278 : memref<40x128xf32, #tpu.memory_space<vmem_shared>>)
      tpu.yield
    }) : () -> ()
    %add3A_74 = arith.constant 560 : i32
    %add3A_75 = arith.addi %mul3A_15, %add3A_74 : i32
    "tpu.region"() ({
      %run_scoped3A = tpu.sem_alloc : memref<!tpu.dma_semaphore, #tpu.memory_space<semaphore_mem>>
      %dma_start3A_271 = arith.constant 0 : i32
      %dma_start3A_272 = tpu.memref_slice %arg8[%add3A_75, %dma_start3A_271] : memref<10000x16xf32, #tpu.memory_space<vmem_shared>> -> memref<40x16xf32, #tpu.memory_space<vmem_shared>>
      %dma_start3A_273 = arith.constant 0 : i32
      %dma_start3A_274 = tpu.memref_slice %arg8[%add3A_75, %dma_start3A_273] : memref<10000x16xf32, #tpu.memory_space<vmem_shared>> -> memref<40x16xf32, #tpu.memory_space<vmem_shared>>
      tpu.enqueue_dma source(%arg14 : memref<40x16xf32, #tpu.memory_space<vmem>>) target(%dma_start3A_274 : memref<40x16xf32, #tpu.memory_space<vmem_shared>>) target_semaphore(%run_scoped3A : memref<!tpu.dma_semaphore, #tpu.memory_space<semaphore_mem>>)
      %dma_wait3A_275 = arith.constant 0 : i32
      %dma_wait3A_276 = tpu.memref_slice %arg8[%add3A_75, %dma_wait3A_275] : memref<10000x16xf32, #tpu.memory_space<vmem_shared>> -> memref<40x16xf32, #tpu.memory_space<vmem_shared>>
      %dma_wait3A_277 = arith.constant 0 : i32
      %dma_wait3A_278 = tpu.memref_slice %arg8[%add3A_75, %dma_wait3A_277] : memref<10000x16xf32, #tpu.memory_space<vmem_shared>> -> memref<40x16xf32, #tpu.memory_space<vmem_shared>>
      tpu.wait_dma2 semaphore(%run_scoped3A : memref<!tpu.dma_semaphore, #tpu.memory_space<semaphore_mem>>) src(%arg14 : memref<40x16xf32, #tpu.memory_space<vmem>>) dst(%dma_wait3A_278 : memref<40x16xf32, #tpu.memory_space<vmem_shared>>)
      tpu.yield
    }) : () -> ()
    %add3A_76 = arith.constant 600 : i32
    %add3A_77 = arith.addi %mul3A_15, %add3A_76 : i32
    "tpu.region"() ({
      %run_scoped3A = tpu.sem_alloc : memref<!tpu.dma_semaphore, #tpu.memory_space<semaphore_mem>>
      %dma_start3A_271 = arith.constant 0 : i32
      %dma_start3A_272 = arith.constant 0 : i32
      %dma_start3A_273 = tpu.memref_slice %arg11[%dma_start3A_271, %dma_start3A_272] : memref<40x128xf32, #tpu.memory_space<vmem>> -> memref<25x128xf32, #tpu.memory_space<vmem>>
      %dma_start3A_274 = arith.constant 0 : i32
      %dma_start3A_275 = tpu.memref_slice %arg7[%add3A_77, %dma_start3A_274] : memref<10000x128xf32, #tpu.memory_space<vmem_shared>> -> memref<25x128xf32, #tpu.memory_space<vmem_shared>>
      %dma_start3A_276 = arith.constant 0 : i32
      %dma_start3A_277 = tpu.memref_slice %arg7[%add3A_77, %dma_start3A_276] : memref<10000x128xf32, #tpu.memory_space<vmem_shared>> -> memref<25x128xf32, #tpu.memory_space<vmem_shared>>
      %dma_start3A_278 = arith.constant 0 : i32
      %dma_start3A_279 = arith.constant 0 : i32
      %dma_start3A_280 = tpu.memref_slice %arg11[%dma_start3A_278, %dma_start3A_279] : memref<40x128xf32, #tpu.memory_space<vmem>> -> memref<25x128xf32, #tpu.memory_space<vmem>>
      tpu.enqueue_dma source(%dma_start3A_280 : memref<25x128xf32, #tpu.memory_space<vmem>>) target(%dma_start3A_277 : memref<25x128xf32, #tpu.memory_space<vmem_shared>>) target_semaphore(%run_scoped3A : memref<!tpu.dma_semaphore, #tpu.memory_space<semaphore_mem>>)
      %dma_wait3A_281 = arith.constant 0 : i32
      %dma_wait3A_282 = arith.constant 0 : i32
      %dma_wait3A_283 = tpu.memref_slice %arg11[%dma_wait3A_281, %dma_wait3A_282] : memref<40x128xf32, #tpu.memory_space<vmem>> -> memref<25x128xf32, #tpu.memory_space<vmem>>
      %dma_wait3A_284 = arith.constant 0 : i32
      %dma_wait3A_285 = tpu.memref_slice %arg7[%add3A_77, %dma_wait3A_284] : memref<10000x128xf32, #tpu.memory_space<vmem_shared>> -> memref<25x128xf32, #tpu.memory_space<vmem_shared>>
      %dma_wait3A_286 = arith.constant 0 : i32
      %dma_wait3A_287 = tpu.memref_slice %arg7[%add3A_77, %dma_wait3A_286] : memref<10000x128xf32, #tpu.memory_space<vmem_shared>> -> memref<25x128xf32, #tpu.memory_space<vmem_shared>>
      %dma_wait3A_288 = arith.constant 0 : i32
      %dma_wait3A_289 = arith.constant 0 : i32
      %dma_wait3A_290 = tpu.memref_slice %arg11[%dma_wait3A_288, %dma_wait3A_289] : memref<40x128xf32, #tpu.memory_space<vmem>> -> memref<25x128xf32, #tpu.memory_space<vmem>>
      tpu.wait_dma2 semaphore(%run_scoped3A : memref<!tpu.dma_semaphore, #tpu.memory_space<semaphore_mem>>) src(%dma_wait3A_290 : memref<25x128xf32, #tpu.memory_space<vmem>>) dst(%dma_wait3A_287 : memref<25x128xf32, #tpu.memory_space<vmem_shared>>)
      tpu.yield
    }) : () -> ()
    %add3A_78 = arith.constant 600 : i32
    %add3A_79 = arith.addi %mul3A_15, %add3A_78 : i32
    "tpu.region"() ({
      %run_scoped3A = tpu.sem_alloc : memref<!tpu.dma_semaphore, #tpu.memory_space<semaphore_mem>>
      %dma_start3A_271 = arith.constant 0 : i32
      %dma_start3A_272 = arith.constant 0 : i32
      %dma_start3A_273 = tpu.memref_slice %arg14[%dma_start3A_271, %dma_start3A_272] : memref<40x16xf32, #tpu.memory_space<vmem>> -> memref<25x16xf32, #tpu.memory_space<vmem>>
      %dma_start3A_274 = arith.constant 0 : i32
      %dma_start3A_275 = tpu.memref_slice %arg8[%add3A_79, %dma_start3A_274] : memref<10000x16xf32, #tpu.memory_space<vmem_shared>> -> memref<25x16xf32, #tpu.memory_space<vmem_shared>>
      %dma_start3A_276 = arith.constant 0 : i32
      %dma_start3A_277 = tpu.memref_slice %arg8[%add3A_79, %dma_start3A_276] : memref<10000x16xf32, #tpu.memory_space<vmem_shared>> -> memref<25x16xf32, #tpu.memory_space<vmem_shared>>
      %dma_start3A_278 = arith.constant 0 : i32
      %dma_start3A_279 = arith.constant 0 : i32
      %dma_start3A_280 = tpu.memref_slice %arg14[%dma_start3A_278, %dma_start3A_279] : memref<40x16xf32, #tpu.memory_space<vmem>> -> memref<25x16xf32, #tpu.memory_space<vmem>>
      tpu.enqueue_dma source(%dma_start3A_280 : memref<25x16xf32, #tpu.memory_space<vmem>>) target(%dma_start3A_277 : memref<25x16xf32, #tpu.memory_space<vmem_shared>>) target_semaphore(%run_scoped3A : memref<!tpu.dma_semaphore, #tpu.memory_space<semaphore_mem>>)
      %dma_wait3A_281 = arith.constant 0 : i32
      %dma_wait3A_282 = arith.constant 0 : i32
      %dma_wait3A_283 = tpu.memref_slice %arg14[%dma_wait3A_281, %dma_wait3A_282] : memref<40x16xf32, #tpu.memory_space<vmem>> -> memref<25x16xf32, #tpu.memory_space<vmem>>
      %dma_wait3A_284 = arith.constant 0 : i32
      %dma_wait3A_285 = tpu.memref_slice %arg8[%add3A_79, %dma_wait3A_284] : memref<10000x16xf32, #tpu.memory_space<vmem_shared>> -> memref<25x16xf32, #tpu.memory_space<vmem_shared>>
      %dma_wait3A_286 = arith.constant 0 : i32
      %dma_wait3A_287 = tpu.memref_slice %arg8[%add3A_79, %dma_wait3A_286] : memref<10000x16xf32, #tpu.memory_space<vmem_shared>> -> memref<25x16xf32, #tpu.memory_space<vmem_shared>>
      %dma_wait3A_288 = arith.constant 0 : i32
      %dma_wait3A_289 = arith.constant 0 : i32
      %dma_wait3A_290 = tpu.memref_slice %arg14[%dma_wait3A_288, %dma_wait3A_289] : memref<40x16xf32, #tpu.memory_space<vmem>> -> memref<25x16xf32, #tpu.memory_space<vmem>>
      tpu.wait_dma2 semaphore(%run_scoped3A : memref<!tpu.dma_semaphore, #tpu.memory_space<semaphore_mem>>) src(%dma_wait3A_290 : memref<25x16xf32, #tpu.memory_space<vmem>>) dst(%dma_wait3A_287 : memref<25x16xf32, #tpu.memory_space<vmem_shared>>)
      tpu.yield
    }) : () -> ()
    %scan3A_80 = arith.constant 0 : i32
    %scan3A_81 = arith.constant 0 : i32
    %scan3A_82 = arith.constant 40 : i32
    %scan3A_83 = arith.addi %scan3A_81, %scan3A_82 : i32
    %scan3A_84 = arith.constant 1 : i32
    %scan3A_85 = scf.for %scan3A_271 = %scan3A_81 to %scan3A_83 step %scan3A_84 iter_args(%scan3A_272 = %scan3A_80) -> (i32)  : i32 {
      %jit3A = arith.constant 1 : i32
      %div3A = arith.divsi %scan3A_271, %jit3A : i32
      %sign3A = arith.constant 0 : i32
      %sign3A_273 = arith.cmpi sgt, %scan3A_271, %sign3A : i32
      %sign3A_274 = arith.extui %sign3A_273 : i1 to i32
      %sign3A_275 = arith.constant 0 : i32
      %sign3A_276 = arith.cmpi slt, %scan3A_271, %sign3A_275 : i32
      %sign3A_277 = arith.extui %sign3A_276 : i1 to i32
      %sign3A_278 = arith.subi %sign3A_274, %sign3A_277 : i32
      %sign3A_279 = arith.constant 0 : i32
      %sign3A_280 = arith.cmpi sgt, %jit3A, %sign3A_279 : i32
      %sign3A_281 = arith.extui %sign3A_280 : i1 to i32
      %sign3A_282 = arith.constant 0 : i32
      %sign3A_283 = arith.cmpi slt, %jit3A, %sign3A_282 : i32
      %sign3A_284 = arith.extui %sign3A_283 : i1 to i32
      %sign3A_285 = arith.subi %sign3A_281, %sign3A_284 : i32
      %ne3A = arith.cmpi ne, %sign3A_278, %sign3A_285 : i32
      %rem3A = arith.remsi %scan3A_271, %jit3A : i32
      %ne3A_286 = arith.constant 0 : i32
      %ne3A_287 = arith.cmpi ne, %rem3A, %ne3A_286 : i32
      %and3A = arith.andi %ne3A, %ne3A_287 : i1
      %sub3A = arith.constant 1 : i32
      %sub3A_288 = arith.subi %div3A, %sub3A : i32
      %select_n3A = arith.select %and3A, %sub3A_288, %div3A : i32
      %jit3A_289 = arith.constant 1 : i32
      %eq3A = arith.constant 0 : i32
      %eq3A_290 = arith.cmpi eq, %jit3A_289, %eq3A : i32
      %jit3A_291 = arith.constant 1 : i32
      %select_n3A_292 = arith.select %eq3A_290, %jit3A_291, %jit3A_289 : i32
      %rem3A_293 = arith.remsi %scan3A_271, %select_n3A_292 : i32
      %ne3A_294 = arith.constant 0 : i32
      %ne3A_295 = arith.cmpi ne, %rem3A_293, %ne3A_294 : i32
      %lt3A = arith.constant 0 : i32
      %lt3A_296 = arith.cmpi slt, %rem3A_293, %lt3A : i32
      %lt3A_297 = arith.constant 0 : i32
      %lt3A_298 = arith.cmpi slt, %select_n3A_292, %lt3A_297 : i32
      %ne3A_299 = arith.xori %lt3A_296, %lt3A_298 : i1
      %and3A_300 = arith.andi %ne3A_299, %ne3A_295 : i1
      %add3A_301 = arith.addi %rem3A_293, %select_n3A_292 : i32
      %select_n3A_302 = arith.select %and3A_300, %add3A_301, %rem3A_293 : i32
      %mul3A_303 = arith.constant 16 : i32
      %mul3A_304 = arith.muli %select_n3A_302, %mul3A_303 : i32
      %broadcast_in_dim3A = arith.constant 1.000000e+00 : f32
      %broadcast_in_dim3A_305 = vector.broadcast %broadcast_in_dim3A : f32 to vector<16xf32>
      %swap3A = arith.index_cast %select_n3A : i32 to index
      %swap3A_306 = arith.index_cast %mul3A_304 : i32 to index
      %swap3A_307 = tpu.vector_load %arg14[%swap3A, %swap3A_306] {strides = array<i32>} : memref<40x16xf32, #tpu.memory_space<vmem>>, vector<1x16xf32>,
      %swap3A_308 = vector.shape_cast %swap3A_307 : vector<1x16xf32> to vector<16xf32>
      %swap3A_309 = vector.shape_cast %broadcast_in_dim3A_305 : vector<16xf32> to vector<1x16xf32>
      tpu.vector_store %arg14[%swap3A, %swap3A_306], %swap3A_309 {strides = array<i32>} : memref<40x16xf32, #tpu.memory_space<vmem>>, vector<1x16xf32>,
      %scan3A_310 = arith.constant 0 : i32
      scf.yield %scan3A_310 : i32
    }
    %scan3A_86 = arith.constant 40 : i32
    %mul3A_87 = arith.constant 250 : i32
    %mul3A_88 = arith.muli %add3A, %mul3A_87 : i32
    "tpu.region"() ({
      %run_scoped3A = tpu.sem_alloc : memref<!tpu.dma_semaphore, #tpu.memory_space<semaphore_mem>>
      %dma_start3A_271 = arith.constant 0 : i32
      %dma_start3A_272 = tpu.memref_slice %arg3[%mul3A_88, %dma_start3A_271] : memref<8000x40xi32, #tpu.memory_space<hbm>> -> memref<250x40xi32, #tpu.memory_space<hbm>>
      %dma_start3A_273 = arith.constant 0 : i32
      %dma_start3A_274 = tpu.memref_slice %arg3[%mul3A_88, %dma_start3A_273] : memref<8000x40xi32, #tpu.memory_space<hbm>> -> memref<250x40xi32, #tpu.memory_space<hbm>>
      tpu.enqueue_dma source(%dma_start3A_274 : memref<250x40xi32, #tpu.memory_space<hbm>>) target(%arg9 : memref<250x40xi32, #tpu.memory_space<vmem>>) target_semaphore(%run_scoped3A : memref<!tpu.dma_semaphore, #tpu.memory_space<semaphore_mem>>)
      %dma_wait3A_275 = arith.constant 0 : i32
      %dma_wait3A_276 = tpu.memref_slice %arg3[%mul3A_88, %dma_wait3A_275] : memref<8000x40xi32, #tpu.memory_space<hbm>> -> memref<250x40xi32, #tpu.memory_space<hbm>>
      %dma_wait3A_277 = arith.constant 0 : i32
      %dma_wait3A_278 = tpu.memref_slice %arg3[%mul3A_88, %dma_wait3A_277] : memref<8000x40xi32, #tpu.memory_space<hbm>> -> memref<250x40xi32, #tpu.memory_space<hbm>>
      tpu.wait_dma2 semaphore(%run_scoped3A : memref<!tpu.dma_semaphore, #tpu.memory_space<semaphore_mem>>) src(%dma_wait3A_278 : memref<250x40xi32, #tpu.memory_space<hbm>>) dst(%arg9 : memref<250x40xi32, #tpu.memory_space<vmem>>)
      tpu.yield
    }) : () -> ()
    %mul3A_89 = arith.constant 250 : i32
    %mul3A_90 = arith.muli %add3A, %mul3A_89 : i32
    "tpu.region"() ({
      %run_scoped3A = tpu.sem_alloc : memref<!tpu.dma_semaphore, #tpu.memory_space<semaphore_mem>>
      %dma_start3A_271 = arith.constant 0 : i32
      %dma_start3A_272 = tpu.memref_slice %arg4[%mul3A_90, %dma_start3A_271] : memref<8000x40xi32, #tpu.memory_space<hbm>> -> memref<250x40xi32, #tpu.memory_space<hbm>>
      %dma_start3A_273 = arith.constant 0 : i32
      %dma_start3A_274 = tpu.memref_slice %arg4[%mul3A_90, %dma_start3A_273] : memref<8000x40xi32, #tpu.memory_space<hbm>> -> memref<250x40xi32, #tpu.memory_space<hbm>>
      tpu.enqueue_dma source(%dma_start3A_274 : memref<250x40xi32, #tpu.memory_space<hbm>>) target(%arg10 : memref<250x40xi32, #tpu.memory_space<vmem>>) target_semaphore(%run_scoped3A : memref<!tpu.dma_semaphore, #tpu.memory_space<semaphore_mem>>)
      %dma_wait3A_275 = arith.constant 0 : i32
      %dma_wait3A_276 = tpu.memref_slice %arg4[%mul3A_90, %dma_wait3A_275] : memref<8000x40xi32, #tpu.memory_space<hbm>> -> memref<250x40xi32, #tpu.memory_space<hbm>>
      %dma_wait3A_277 = arith.constant 0 : i32
      %dma_wait3A_278 = tpu.memref_slice %arg4[%mul3A_90, %dma_wait3A_277] : memref<8000x40xi32, #tpu.memory_space<hbm>> -> memref<250x40xi32, #tpu.memory_space<hbm>>
      tpu.wait_dma2 semaphore(%run_scoped3A : memref<!tpu.dma_semaphore, #tpu.memory_space<semaphore_mem>>) src(%dma_wait3A_278 : memref<250x40xi32, #tpu.memory_space<hbm>>) dst(%arg10 : memref<250x40xi32, #tpu.memory_space<vmem>>)
      tpu.yield
    }) : () -> ()
    %dma_start3A = arith.constant 0 : i32
    %dma_start3A_91 = arith.constant 0 : i32
    %dma_start3A_92 = tpu.memref_slice %arg9[%dma_start3A, %dma_start3A_91] : memref<250x40xi32, #tpu.memory_space<vmem>> -> memref<1x40xi32, #tpu.memory_space<vmem>>
    %dma_start3A_93 = tpu.memref_squeeze %dma_start3A_92 : memref<1x40xi32, #tpu.memory_space<vmem>> -> memref<40xi32, #tpu.memory_space<vmem>>
    %dma_start3A_94 = arith.constant 0 : i32
    %dma_start3A_95 = arith.constant 0 : i32
    %dma_start3A_96 = tpu.memref_slice %arg2[%dma_start3A_94, %dma_start3A_95] : memref<10000x128xf32, #tpu.memory_space<hbm>> -> memref<10000x128xf32, #tpu.memory_space<hbm>>
    tpu.enqueue_indirect_dma source(%dma_start3A_96 : memref<10000x128xf32, #tpu.memory_space<hbm>>) target(%arg11 : memref<40x128xf32, #tpu.memory_space<vmem>>) offsets(%dma_start3A_93 : memref<40xi32, #tpu.memory_space<vmem>>) semaphore(%arg15 : memref<!tpu.dma_semaphore, #tpu.memory_space<semaphore_mem>>)
    %barrier3A = arith.constant 0 : index
    tpu.barrier barrier_id(%barrier3A)
    %dma_start3A_97 = arith.constant 1 : i32
    %dma_start3A_98 = arith.constant 0 : i32
    %dma_start3A_99 = tpu.memref_slice %arg9[%dma_start3A_97, %dma_start3A_98] : memref<250x40xi32, #tpu.memory_space<vmem>> -> memref<1x40xi32, #tpu.memory_space<vmem>>
    %dma_start3A_100 = tpu.memref_squeeze %dma_start3A_99 : memref<1x40xi32, #tpu.memory_space<vmem>> -> memref<40xi32, #tpu.memory_space<vmem>>
    %dma_start3A_101 = arith.constant 0 : i32
    %dma_start3A_102 = arith.constant 0 : i32
    %dma_start3A_103 = tpu.memref_slice %arg2[%dma_start3A_101, %dma_start3A_102] : memref<10000x128xf32, #tpu.memory_space<hbm>> -> memref<10000x128xf32, #tpu.memory_space<hbm>>
    tpu.enqueue_indirect_dma source(%dma_start3A_103 : memref<10000x128xf32, #tpu.memory_space<hbm>>) target(%arg12 : memref<40x128xf32, #tpu.memory_space<vmem>>) offsets(%dma_start3A_100 : memref<40xi32, #tpu.memory_space<vmem>>) semaphore(%arg16 : memref<!tpu.dma_semaphore, #tpu.memory_space<semaphore_mem>>)
    %dma_wait3A = arith.constant 0 : i32
    %dma_wait3A_104 = arith.constant 0 : i32
    %dma_wait3A_105 = tpu.memref_slice %arg9[%dma_wait3A, %dma_wait3A_104] : memref<250x40xi32, #tpu.memory_space<vmem>> -> memref<1x40xi32, #tpu.memory_space<vmem>>
    %dma_wait3A_106 = tpu.memref_squeeze %dma_wait3A_105 : memref<1x40xi32, #tpu.memory_space<vmem>> -> memref<40xi32, #tpu.memory_space<vmem>>
    %dma_wait3A_107 = arith.constant 0 : i32
    %dma_wait3A_108 = arith.constant 0 : i32
    %dma_wait3A_109 = tpu.memref_slice %arg2[%dma_wait3A_107, %dma_wait3A_108] : memref<10000x128xf32, #tpu.memory_space<hbm>> -> memref<10000x128xf32, #tpu.memory_space<hbm>>
    tpu.wait_indirect_dma semaphore(%arg15 : memref<!tpu.dma_semaphore, #tpu.memory_space<semaphore_mem>>) src(%dma_wait3A_109 : memref<10000x128xf32, #tpu.memory_space<hbm>>) dst(%arg11 : memref<40x128xf32, #tpu.memory_space<vmem>>)
    %dma_start3A_110 = arith.constant 0 : i32
    %dma_start3A_111 = arith.constant 0 : i32
    %dma_start3A_112 = tpu.memref_slice %arg10[%dma_start3A_110, %dma_start3A_111] : memref<250x40xi32, #tpu.memory_space<vmem>> -> memref<1x40xi32, #tpu.memory_space<vmem>>
    %dma_start3A_113 = tpu.memref_squeeze %dma_start3A_112 : memref<1x40xi32, #tpu.memory_space<vmem>> -> memref<40xi32, #tpu.memory_space<vmem>>
    %dma_start3A_114 = arith.constant 0 : i32
    %dma_start3A_115 = arith.constant 0 : i32
    %dma_start3A_116 = tpu.memref_slice %arg7[%dma_start3A_114, %dma_start3A_115] : memref<10000x128xf32, #tpu.memory_space<vmem_shared>> -> memref<10000x128xf32, #tpu.memory_space<vmem_shared>>
    tpu.enqueue_indirect_dma source(%arg11 : memref<40x128xf32, #tpu.memory_space<vmem>>) target(%dma_start3A_116 : memref<10000x128xf32, #tpu.memory_space<vmem_shared>>) offsets(%dma_start3A_113 : memref<40xi32, #tpu.memory_space<vmem>>) semaphore(%arg18 : memref<!tpu.dma_semaphore, #tpu.memory_space<semaphore_mem>>) {add = true}
    %dma_start3A_117 = arith.constant 0 : i32
    %dma_start3A_118 = arith.constant 0 : i32
    %dma_start3A_119 = tpu.memref_slice %arg10[%dma_start3A_117, %dma_start3A_118] : memref<250x40xi32, #tpu.memory_space<vmem>> -> memref<1x40xi32, #tpu.memory_space<vmem>>
    %dma_start3A_120 = tpu.memref_squeeze %dma_start3A_119 : memref<1x40xi32, #tpu.memory_space<vmem>> -> memref<40xi32, #tpu.memory_space<vmem>>
    %dma_start3A_121 = arith.constant 0 : i32
    %dma_start3A_122 = arith.constant 0 : i32
    %dma_start3A_123 = tpu.memref_slice %arg8[%dma_start3A_121, %dma_start3A_122] : memref<10000x16xf32, #tpu.memory_space<vmem_shared>> -> memref<10000x16xf32, #tpu.memory_space<vmem_shared>>
    tpu.enqueue_indirect_dma source(%arg14 : memref<40x16xf32, #tpu.memory_space<vmem>>) target(%dma_start3A_123 : memref<10000x16xf32, #tpu.memory_space<vmem_shared>>) offsets(%dma_start3A_120 : memref<40xi32, #tpu.memory_space<vmem>>) semaphore(%arg18 : memref<!tpu.dma_semaphore, #tpu.memory_space<semaphore_mem>>) {add = true}
    %dma_start3A_124 = arith.constant 2 : i32
    %dma_start3A_125 = arith.constant 0 : i32
    %dma_start3A_126 = tpu.memref_slice %arg9[%dma_start3A_124, %dma_start3A_125] : memref<250x40xi32, #tpu.memory_space<vmem>> -> memref<1x40xi32, #tpu.memory_space<vmem>>
    %dma_start3A_127 = tpu.memref_squeeze %dma_start3A_126 : memref<1x40xi32, #tpu.memory_space<vmem>> -> memref<40xi32, #tpu.memory_space<vmem>>
    %dma_start3A_128 = arith.constant 0 : i32
    %dma_start3A_129 = arith.constant 0 : i32
    %dma_start3A_130 = tpu.memref_slice %arg2[%dma_start3A_128, %dma_start3A_129] : memref<10000x128xf32, #tpu.memory_space<hbm>> -> memref<10000x128xf32, #tpu.memory_space<hbm>>
    tpu.enqueue_indirect_dma source(%dma_start3A_130 : memref<10000x128xf32, #tpu.memory_space<hbm>>) target(%arg13 : memref<40x128xf32, #tpu.memory_space<vmem>>) offsets(%dma_start3A_127 : memref<40xi32, #tpu.memory_space<vmem>>) semaphore(%arg17 : memref<!tpu.dma_semaphore, #tpu.memory_space<semaphore_mem>>)
    %dma_wait3A_131 = arith.constant 1 : i32
    %dma_wait3A_132 = arith.constant 0 : i32
    %dma_wait3A_133 = tpu.memref_slice %arg9[%dma_wait3A_131, %dma_wait3A_132] : memref<250x40xi32, #tpu.memory_space<vmem>> -> memref<1x40xi32, #tpu.memory_space<vmem>>
    %dma_wait3A_134 = tpu.memref_squeeze %dma_wait3A_133 : memref<1x40xi32, #tpu.memory_space<vmem>> -> memref<40xi32, #tpu.memory_space<vmem>>
    %dma_wait3A_135 = arith.constant 0 : i32
    %dma_wait3A_136 = arith.constant 0 : i32
    %dma_wait3A_137 = tpu.memref_slice %arg2[%dma_wait3A_135, %dma_wait3A_136] : memref<10000x128xf32, #tpu.memory_space<hbm>> -> memref<10000x128xf32, #tpu.memory_space<hbm>>
    tpu.wait_indirect_dma semaphore(%arg16 : memref<!tpu.dma_semaphore, #tpu.memory_space<semaphore_mem>>) src(%dma_wait3A_137 : memref<10000x128xf32, #tpu.memory_space<hbm>>) dst(%arg12 : memref<40x128xf32, #tpu.memory_space<vmem>>)
    %dma_start3A_138 = arith.constant 1 : i32
    %dma_start3A_139 = arith.constant 0 : i32
    %dma_start3A_140 = tpu.memref_slice %arg10[%dma_start3A_138, %dma_start3A_139] : memref<250x40xi32, #tpu.memory_space<vmem>> -> memref<1x40xi32, #tpu.memory_space<vmem>>
    %dma_start3A_141 = tpu.memref_squeeze %dma_start3A_140 : memref<1x40xi32, #tpu.memory_space<vmem>> -> memref<40xi32, #tpu.memory_space<vmem>>
    %dma_start3A_142 = arith.constant 0 : i32
    %dma_start3A_143 = arith.constant 0 : i32
    %dma_start3A_144 = tpu.memref_slice %arg7[%dma_start3A_142, %dma_start3A_143] : memref<10000x128xf32, #tpu.memory_space<vmem_shared>> -> memref<10000x128xf32, #tpu.memory_space<vmem_shared>>
    tpu.enqueue_indirect_dma source(%arg12 : memref<40x128xf32, #tpu.memory_space<vmem>>) target(%dma_start3A_144 : memref<10000x128xf32, #tpu.memory_space<vmem_shared>>) offsets(%dma_start3A_141 : memref<40xi32, #tpu.memory_space<vmem>>) semaphore(%arg19 : memref<!tpu.dma_semaphore, #tpu.memory_space<semaphore_mem>>) {add = true}
    %dma_start3A_145 = arith.constant 1 : i32
    %dma_start3A_146 = arith.constant 0 : i32
    %dma_start3A_147 = tpu.memref_slice %arg10[%dma_start3A_145, %dma_start3A_146] : memref<250x40xi32, #tpu.memory_space<vmem>> -> memref<1x40xi32, #tpu.memory_space<vmem>>
    %dma_start3A_148 = tpu.memref_squeeze %dma_start3A_147 : memref<1x40xi32, #tpu.memory_space<vmem>> -> memref<40xi32, #tpu.memory_space<vmem>>
    %dma_start3A_149 = arith.constant 0 : i32
    %dma_start3A_150 = arith.constant 0 : i32
    %dma_start3A_151 = tpu.memref_slice %arg8[%dma_start3A_149, %dma_start3A_150] : memref<10000x16xf32, #tpu.memory_space<vmem_shared>> -> memref<10000x16xf32, #tpu.memory_space<vmem_shared>>
    tpu.enqueue_indirect_dma source(%arg14 : memref<40x16xf32, #tpu.memory_space<vmem>>) target(%dma_start3A_151 : memref<10000x16xf32, #tpu.memory_space<vmem_shared>>) offsets(%dma_start3A_148 : memref<40xi32, #tpu.memory_space<vmem>>) semaphore(%arg19 : memref<!tpu.dma_semaphore, #tpu.memory_space<semaphore_mem>>) {add = true}
    %scan3A_152 = arith.constant 0 : i32
    %scan3A_153 = arith.constant 0 : i32
    %scan3A_154 = arith.constant 82 : i32
    %scan3A_155 = arith.addi %scan3A_153, %scan3A_154 : i32
    %scan3A_156 = arith.constant 1 : i32
    %scan3A_157 = scf.for %scan3A_271 = %scan3A_153 to %scan3A_155 step %scan3A_156 iter_args(%scan3A_272 = %scan3A_152) -> (i32)  : i32 {
      %mul3A_273 = arith.constant 3 : i32
      %mul3A_274 = arith.muli %scan3A_271, %mul3A_273 : i32
      %add3A_275 = arith.constant 2 : i32
      %add3A_276 = arith.addi %add3A_275, %mul3A_274 : i32
      %sub3A = arith.constant 2 : i32
      %sub3A_277 = arith.subi %add3A_276, %sub3A : i32
      %dma_wait3A_278 = arith.constant 0 : i32
      %dma_wait3A_279 = tpu.memref_slice %arg10[%sub3A_277, %dma_wait3A_278] : memref<250x40xi32, #tpu.memory_space<vmem>> -> memref<1x40xi32, #tpu.memory_space<vmem>>
      %dma_wait3A_280 = tpu.memref_squeeze %dma_wait3A_279 : memref<1x40xi32, #tpu.memory_space<vmem>> -> memref<40xi32, #tpu.memory_space<vmem>>
      %dma_wait3A_281 = arith.constant 0 : i32
      %dma_wait3A_282 = arith.constant 0 : i32
      %dma_wait3A_283 = tpu.memref_slice %arg7[%dma_wait3A_281, %dma_wait3A_282] : memref<10000x128xf32, #tpu.memory_space<vmem_shared>> -> memref<10000x128xf32, #tpu.memory_space<vmem_shared>>
      tpu.wait_indirect_dma semaphore(%arg18 : memref<!tpu.dma_semaphore, #tpu.memory_space<semaphore_mem>>) src(%arg11 : memref<40x128xf32, #tpu.memory_space<vmem>>) dst(%dma_wait3A_283 : memref<10000x128xf32, #tpu.memory_space<vmem_shared>>)
      %dma_wait3A_284 = arith.constant 0 : i32
      %dma_wait3A_285 = tpu.memref_slice %arg10[%sub3A_277, %dma_wait3A_284] : memref<250x40xi32, #tpu.memory_space<vmem>> -> memref<1x40xi32, #tpu.memory_space<vmem>>
      %dma_wait3A_286 = tpu.memref_squeeze %dma_wait3A_285 : memref<1x40xi32, #tpu.memory_space<vmem>> -> memref<40xi32, #tpu.memory_space<vmem>>
      %dma_wait3A_287 = arith.constant 0 : i32
      %dma_wait3A_288 = arith.constant 0 : i32
      %dma_wait3A_289 = tpu.memref_slice %arg8[%dma_wait3A_287, %dma_wait3A_288] : memref<10000x16xf32, #tpu.memory_space<vmem_shared>> -> memref<10000x16xf32, #tpu.memory_space<vmem_shared>>
      tpu.wait_indirect_dma semaphore(%arg18 : memref<!tpu.dma_semaphore, #tpu.memory_space<semaphore_mem>>) src(%arg14 : memref<40x16xf32, #tpu.memory_space<vmem>>) dst(%dma_wait3A_289 : memref<10000x16xf32, #tpu.memory_space<vmem_shared>>)
      %add3A_290 = arith.constant 1 : i32
      %add3A_291 = arith.addi %add3A_276, %add3A_290 : i32
      %dma_start3A_292 = arith.constant 0 : i32
      %dma_start3A_293 = tpu.memref_slice %arg9[%add3A_291, %dma_start3A_292] : memref<250x40xi32, #tpu.memory_space<vmem>> -> memref<1x40xi32, #tpu.memory_space<vmem>>
      %dma_start3A_294 = tpu.memref_squeeze %dma_start3A_293 : memref<1x40xi32, #tpu.memory_space<vmem>> -> memref<40xi32, #tpu.memory_space<vmem>>
      %dma_start3A_295 = arith.constant 0 : i32
      %dma_start3A_296 = arith.constant 0 : i32
      %dma_start3A_297 = tpu.memref_slice %arg2[%dma_start3A_295, %dma_start3A_296] : memref<10000x128xf32, #tpu.memory_space<hbm>> -> memref<10000x128xf32, #tpu.memory_space<hbm>>
      tpu.enqueue_indirect_dma source(%dma_start3A_297 : memref<10000x128xf32, #tpu.memory_space<hbm>>) target(%arg11 : memref<40x128xf32, #tpu.memory_space<vmem>>) offsets(%dma_start3A_294 : memref<40xi32, #tpu.memory_space<vmem>>) semaphore(%arg15 : memref<!tpu.dma_semaphore, #tpu.memory_space<semaphore_mem>>)
      %dma_wait3A_298 = arith.constant 0 : i32
      %dma_wait3A_299 = tpu.memref_slice %arg9[%add3A_276, %dma_wait3A_298] : memref<250x40xi32, #tpu.memory_space<vmem>> -> memref<1x40xi32, #tpu.memory_space<vmem>>
      %dma_wait3A_300 = tpu.memref_squeeze %dma_wait3A_299 : memref<1x40xi32, #tpu.memory_space<vmem>> -> memref<40xi32, #tpu.memory_space<vmem>>
      %dma_wait3A_301 = arith.constant 0 : i32
      %dma_wait3A_302 = arith.constant 0 : i32
      %dma_wait3A_303 = tpu.memref_slice %arg2[%dma_wait3A_301, %dma_wait3A_302] : memref<10000x128xf32, #tpu.memory_space<hbm>> -> memref<10000x128xf32, #tpu.memory_space<hbm>>
      tpu.wait_indirect_dma semaphore(%arg17 : memref<!tpu.dma_semaphore, #tpu.memory_space<semaphore_mem>>) src(%dma_wait3A_303 : memref<10000x128xf32, #tpu.memory_space<hbm>>) dst(%arg13 : memref<40x128xf32, #tpu.memory_space<vmem>>)
      %dma_start3A_304 = arith.constant 0 : i32
      %dma_start3A_305 = tpu.memref_slice %arg10[%add3A_276, %dma_start3A_304] : memref<250x40xi32, #tpu.memory_space<vmem>> -> memref<1x40xi32, #tpu.memory_space<vmem>>
      %dma_start3A_306 = tpu.memref_squeeze %dma_start3A_305 : memref<1x40xi32, #tpu.memory_space<vmem>> -> memref<40xi32, #tpu.memory_space<vmem>>
      %dma_start3A_307 = arith.constant 0 : i32
      %dma_start3A_308 = arith.constant 0 : i32
      %dma_start3A_309 = tpu.memref_slice %arg7[%dma_start3A_307, %dma_start3A_308] : memref<10000x128xf32, #tpu.memory_space<vmem_shared>> -> memref<10000x128xf32, #tpu.memory_space<vmem_shared>>
      tpu.enqueue_indirect_dma source(%arg13 : memref<40x128xf32, #tpu.memory_space<vmem>>) target(%dma_start3A_309 : memref<10000x128xf32, #tpu.memory_space<vmem_shared>>) offsets(%dma_start3A_306 : memref<40xi32, #tpu.memory_space<vmem>>) semaphore(%arg20 : memref<!tpu.dma_semaphore, #tpu.memory_space<semaphore_mem>>) {add = true}
      %dma_start3A_310 = arith.constant 0 : i32
      %dma_start3A_311 = tpu.memref_slice %arg10[%add3A_276, %dma_start3A_310] : memref<250x40xi32, #tpu.memory_space<vmem>> -> memref<1x40xi32, #tpu.memory_space<vmem>>
      %dma_start3A_312 = tpu.memref_squeeze %dma_start3A_311 : memref<1x40xi32, #tpu.memory_space<vmem>> -> memref<40xi32, #tpu.memory_space<vmem>>
      %dma_start3A_313 = arith.constant 0 : i32
      %dma_start3A_314 = arith.constant 0 : i32
      %dma_start3A_315 = tpu.memref_slice %arg8[%dma_start3A_313, %dma_start3A_314] : memref<10000x16xf32, #tpu.memory_space<vmem_shared>> -> memref<10000x16xf32, #tpu.memory_space<vmem_shared>>
      tpu.enqueue_indirect_dma source(%arg14 : memref<40x16xf32, #tpu.memory_space<vmem>>) target(%dma_start3A_315 : memref<10000x16xf32, #tpu.memory_space<vmem_shared>>) offsets(%dma_start3A_312 : memref<40xi32, #tpu.memory_space<vmem>>) semaphore(%arg20 : memref<!tpu.dma_semaphore, #tpu.memory_space<semaphore_mem>>) {add = true}
      %add3A_316 = arith.constant 1 : i32
      %add3A_317 = arith.addi %add3A_276, %add3A_316 : i32
      %sub3A_318 = arith.constant 2 : i32
      %sub3A_319 = arith.subi %add3A_317, %sub3A_318 : i32
      %dma_wait3A_320 = arith.constant 0 : i32
      %dma_wait3A_321 = tpu.memref_slice %arg10[%sub3A_319, %dma_wait3A_320] : memref<250x40xi32, #tpu.memory_space<vmem>> -> memref<1x40xi32, #tpu.memory_space<vmem>>
      %dma_wait3A_322 = tpu.memref_squeeze %dma_wait3A_321 : memref<1x40xi32, #tpu.memory_space<vmem>> -> memref<40xi32, #tpu.memory_space<vmem>>
      %dma_wait3A_323 = arith.constant 0 : i32
      %dma_wait3A_324 = arith.constant 0 : i32
      %dma_wait3A_325 = tpu.memref_slice %arg7[%dma_wait3A_323, %dma_wait3A_324] : memref<10000x128xf32, #tpu.memory_space<vmem_shared>> -> memref<10000x128xf32, #tpu.memory_space<vmem_shared>>
      tpu.wait_indirect_dma semaphore(%arg19 : memref<!tpu.dma_semaphore, #tpu.memory_space<semaphore_mem>>) src(%arg12 : memref<40x128xf32, #tpu.memory_space<vmem>>) dst(%dma_wait3A_325 : memref<10000x128xf32, #tpu.memory_space<vmem_shared>>)
      %dma_wait3A_326 = arith.constant 0 : i32
      %dma_wait3A_327 = tpu.memref_slice %arg10[%sub3A_319, %dma_wait3A_326] : memref<250x40xi32, #tpu.memory_space<vmem>> -> memref<1x40xi32, #tpu.memory_space<vmem>>
      %dma_wait3A_328 = tpu.memref_squeeze %dma_wait3A_327 : memref<1x40xi32, #tpu.memory_space<vmem>> -> memref<40xi32, #tpu.memory_space<vmem>>
      %dma_wait3A_329 = arith.constant 0 : i32
      %dma_wait3A_330 = arith.constant 0 : i32
      %dma_wait3A_331 = tpu.memref_slice %arg8[%dma_wait3A_329, %dma_wait3A_330] : memref<10000x16xf32, #tpu.memory_space<vmem_shared>> -> memref<10000x16xf32, #tpu.memory_space<vmem_shared>>
      tpu.wait_indirect_dma semaphore(%arg19 : memref<!tpu.dma_semaphore, #tpu.memory_space<semaphore_mem>>) src(%arg14 : memref<40x16xf32, #tpu.memory_space<vmem>>) dst(%dma_wait3A_331 : memref<10000x16xf32, #tpu.memory_space<vmem_shared>>)
      %add3A_332 = arith.constant 1 : i32
      %add3A_333 = arith.addi %add3A_317, %add3A_332 : i32
      %dma_start3A_334 = arith.constant 0 : i32
      %dma_start3A_335 = tpu.memref_slice %arg9[%add3A_333, %dma_start3A_334] : memref<250x40xi32, #tpu.memory_space<vmem>> -> memref<1x40xi32, #tpu.memory_space<vmem>>
      %dma_start3A_336 = tpu.memref_squeeze %dma_start3A_335 : memref<1x40xi32, #tpu.memory_space<vmem>> -> memref<40xi32, #tpu.memory_space<vmem>>
      %dma_start3A_337 = arith.constant 0 : i32
      %dma_start3A_338 = arith.constant 0 : i32
      %dma_start3A_339 = tpu.memref_slice %arg2[%dma_start3A_337, %dma_start3A_338] : memref<10000x128xf32, #tpu.memory_space<hbm>> -> memref<10000x128xf32, #tpu.memory_space<hbm>>
      tpu.enqueue_indirect_dma source(%dma_start3A_339 : memref<10000x128xf32, #tpu.memory_space<hbm>>) target(%arg12 : memref<40x128xf32, #tpu.memory_space<vmem>>) offsets(%dma_start3A_336 : memref<40xi32, #tpu.memory_space<vmem>>) semaphore(%arg16 : memref<!tpu.dma_semaphore, #tpu.memory_space<semaphore_mem>>)
      %dma_wait3A_340 = arith.constant 0 : i32
      %dma_wait3A_341 = tpu.memref_slice %arg9[%add3A_317, %dma_wait3A_340] : memref<250x40xi32, #tpu.memory_space<vmem>> -> memref<1x40xi32, #tpu.memory_space<vmem>>
      %dma_wait3A_342 = tpu.memref_squeeze %dma_wait3A_341 : memref<1x40xi32, #tpu.memory_space<vmem>> -> memref<40xi32, #tpu.memory_space<vmem>>
      %dma_wait3A_343 = arith.constant 0 : i32
      %dma_wait3A_344 = arith.constant 0 : i32
      %dma_wait3A_345 = tpu.memref_slice %arg2[%dma_wait3A_343, %dma_wait3A_344] : memref<10000x128xf32, #tpu.memory_space<hbm>> -> memref<10000x128xf32, #tpu.memory_space<hbm>>
      tpu.wait_indirect_dma semaphore(%arg15 : memref<!tpu.dma_semaphore, #tpu.memory_space<semaphore_mem>>) src(%dma_wait3A_345 : memref<10000x128xf32, #tpu.memory_space<hbm>>) dst(%arg11 : memref<40x128xf32, #tpu.memory_space<vmem>>)
      %dma_start3A_346 = arith.constant 0 : i32
      %dma_start3A_347 = tpu.memref_slice %arg10[%add3A_317, %dma_start3A_346] : memref<250x40xi32, #tpu.memory_space<vmem>> -> memref<1x40xi32, #tpu.memory_space<vmem>>
      %dma_start3A_348 = tpu.memref_squeeze %dma_start3A_347 : memref<1x40xi32, #tpu.memory_space<vmem>> -> memref<40xi32, #tpu.memory_space<vmem>>
      %dma_start3A_349 = arith.constant 0 : i32
      %dma_start3A_350 = arith.constant 0 : i32
      %dma_start3A_351 = tpu.memref_slice %arg7[%dma_start3A_349, %dma_start3A_350] : memref<10000x128xf32, #tpu.memory_space<vmem_shared>> -> memref<10000x128xf32, #tpu.memory_space<vmem_shared>>
      tpu.enqueue_indirect_dma source(%arg11 : memref<40x128xf32, #tpu.memory_space<vmem>>) target(%dma_start3A_351 : memref<10000x128xf32, #tpu.memory_space<vmem_shared>>) offsets(%dma_start3A_348 : memref<40xi32, #tpu.memory_space<vmem>>) semaphore(%arg18 : memref<!tpu.dma_semaphore, #tpu.memory_space<semaphore_mem>>) {add = true}
      %dma_start3A_352 = arith.constant 0 : i32
      %dma_start3A_353 = tpu.memref_slice %arg10[%add3A_317, %dma_start3A_352] : memref<250x40xi32, #tpu.memory_space<vmem>> -> memref<1x40xi32, #tpu.memory_space<vmem>>
      %dma_start3A_354 = tpu.memref_squeeze %dma_start3A_353 : memref<1x40xi32, #tpu.memory_space<vmem>> -> memref<40xi32, #tpu.memory_space<vmem>>
      %dma_start3A_355 = arith.constant 0 : i32
      %dma_start3A_356 = arith.constant 0 : i32
      %dma_start3A_357 = tpu.memref_slice %arg8[%dma_start3A_355, %dma_start3A_356] : memref<10000x16xf32, #tpu.memory_space<vmem_shared>> -> memref<10000x16xf32, #tpu.memory_space<vmem_shared>>
      tpu.enqueue_indirect_dma source(%arg14 : memref<40x16xf32, #tpu.memory_space<vmem>>) target(%dma_start3A_357 : memref<10000x16xf32, #tpu.memory_space<vmem_shared>>) offsets(%dma_start3A_354 : memref<40xi32, #tpu.memory_space<vmem>>) semaphore(%arg18 : memref<!tpu.dma_semaphore, #tpu.memory_space<semaphore_mem>>) {add = true}
      %add3A_358 = arith.constant 2 : i32
      %add3A_359 = arith.addi %add3A_276, %add3A_358 : i32
      %sub3A_360 = arith.constant 2 : i32
      %sub3A_361 = arith.subi %add3A_359, %sub3A_360 : i32
      %dma_wait3A_362 = arith.constant 0 : i32
      %dma_wait3A_363 = tpu.memref_slice %arg10[%sub3A_361, %dma_wait3A_362] : memref<250x40xi32, #tpu.memory_space<vmem>> -> memref<1x40xi32, #tpu.memory_space<vmem>>
      %dma_wait3A_364 = tpu.memref_squeeze %dma_wait3A_363 : memref<1x40xi32, #tpu.memory_space<vmem>> -> memref<40xi32, #tpu.memory_space<vmem>>
      %dma_wait3A_365 = arith.constant 0 : i32
      %dma_wait3A_366 = arith.constant 0 : i32
      %dma_wait3A_367 = tpu.memref_slice %arg7[%dma_wait3A_365, %dma_wait3A_366] : memref<10000x128xf32, #tpu.memory_space<vmem_shared>> -> memref<10000x128xf32, #tpu.memory_space<vmem_shared>>
      tpu.wait_indirect_dma semaphore(%arg20 : memref<!tpu.dma_semaphore, #tpu.memory_space<semaphore_mem>>) src(%arg13 : memref<40x128xf32, #tpu.memory_space<vmem>>) dst(%dma_wait3A_367 : memref<10000x128xf32, #tpu.memory_space<vmem_shared>>)
      %dma_wait3A_368 = arith.constant 0 : i32
      %dma_wait3A_369 = tpu.memref_slice %arg10[%sub3A_361, %dma_wait3A_368] : memref<250x40xi32, #tpu.memory_space<vmem>> -> memref<1x40xi32, #tpu.memory_space<vmem>>
      %dma_wait3A_370 = tpu.memref_squeeze %dma_wait3A_369 : memref<1x40xi32, #tpu.memory_space<vmem>> -> memref<40xi32, #tpu.memory_space<vmem>>
      %dma_wait3A_371 = arith.constant 0 : i32
      %dma_wait3A_372 = arith.constant 0 : i32
      %dma_wait3A_373 = tpu.memref_slice %arg8[%dma_wait3A_371, %dma_wait3A_372] : memref<10000x16xf32, #tpu.memory_space<vmem_shared>> -> memref<10000x16xf32, #tpu.memory_space<vmem_shared>>
      tpu.wait_indirect_dma semaphore(%arg20 : memref<!tpu.dma_semaphore, #tpu.memory_space<semaphore_mem>>) src(%arg14 : memref<40x16xf32, #tpu.memory_space<vmem>>) dst(%dma_wait3A_373 : memref<10000x16xf32, #tpu.memory_space<vmem_shared>>)
      %add3A_374 = arith.constant 1 : i32
      %add3A_375 = arith.addi %add3A_359, %add3A_374 : i32
      %dma_start3A_376 = arith.constant 0 : i32
      %dma_start3A_377 = tpu.memref_slice %arg9[%add3A_375, %dma_start3A_376] : memref<250x40xi32, #tpu.memory_space<vmem>> -> memref<1x40xi32, #tpu.memory_space<vmem>>
      %dma_start3A_378 = tpu.memref_squeeze %dma_start3A_377 : memref<1x40xi32, #tpu.memory_space<vmem>> -> memref<40xi32, #tpu.memory_space<vmem>>
      %dma_start3A_379 = arith.constant 0 : i32
      %dma_start3A_380 = arith.constant 0 : i32
      %dma_start3A_381 = tpu.memref_slice %arg2[%dma_start3A_379, %dma_start3A_380] : memref<10000x128xf32, #tpu.memory_space<hbm>> -> memref<10000x128xf32, #tpu.memory_space<hbm>>
      tpu.enqueue_indirect_dma source(%dma_start3A_381 : memref<10000x128xf32, #tpu.memory_space<hbm>>) target(%arg13 : memref<40x128xf32, #tpu.memory_space<vmem>>) offsets(%dma_start3A_378 : memref<40xi32, #tpu.memory_space<vmem>>) semaphore(%arg17 : memref<!tpu.dma_semaphore, #tpu.memory_space<semaphore_mem>>)
      %dma_wait3A_382 = arith.constant 0 : i32
      %dma_wait3A_383 = tpu.memref_slice %arg9[%add3A_359, %dma_wait3A_382] : memref<250x40xi32, #tpu.memory_space<vmem>> -> memref<1x40xi32, #tpu.memory_space<vmem>>
      %dma_wait3A_384 = tpu.memref_squeeze %dma_wait3A_383 : memref<1x40xi32, #tpu.memory_space<vmem>> -> memref<40xi32, #tpu.memory_space<vmem>>
      %dma_wait3A_385 = arith.constant 0 : i32
      %dma_wait3A_386 = arith.constant 0 : i32
      %dma_wait3A_387 = tpu.memref_slice %arg2[%dma_wait3A_385, %dma_wait3A_386] : memref<10000x128xf32, #tpu.memory_space<hbm>> -> memref<10000x128xf32, #tpu.memory_space<hbm>>
      tpu.wait_indirect_dma semaphore(%arg16 : memref<!tpu.dma_semaphore, #tpu.memory_space<semaphore_mem>>) src(%dma_wait3A_387 : memref<10000x128xf32, #tpu.memory_space<hbm>>) dst(%arg12 : memref<40x128xf32, #tpu.memory_space<vmem>>)
      %dma_start3A_388 = arith.constant 0 : i32
      %dma_start3A_389 = tpu.memref_slice %arg10[%add3A_359, %dma_start3A_388] : memref<250x40xi32, #tpu.memory_space<vmem>> -> memref<1x40xi32, #tpu.memory_space<vmem>>
      %dma_start3A_390 = tpu.memref_squeeze %dma_start3A_389 : memref<1x40xi32, #tpu.memory_space<vmem>> -> memref<40xi32, #tpu.memory_space<vmem>>
      %dma_start3A_391 = arith.constant 0 : i32
      %dma_start3A_392 = arith.constant 0 : i32
      %dma_start3A_393 = tpu.memref_slice %arg7[%dma_start3A_391, %dma_start3A_392] : memref<10000x128xf32, #tpu.memory_space<vmem_shared>> -> memref<10000x128xf32, #tpu.memory_space<vmem_shared>>
      tpu.enqueue_indirect_dma source(%arg12 : memref<40x128xf32, #tpu.memory_space<vmem>>) target(%dma_start3A_393 : memref<10000x128xf32, #tpu.memory_space<vmem_shared>>) offsets(%dma_start3A_390 : memref<40xi32, #tpu.memory_space<vmem>>) semaphore(%arg19 : memref<!tpu.dma_semaphore, #tpu.memory_space<semaphore_mem>>) {add = true}
      %dma_start3A_394 = arith.constant 0 : i32
      %dma_start3A_395 = tpu.memref_slice %arg10[%add3A_359, %dma_start3A_394] : memref<250x40xi32, #tpu.memory_space<vmem>> -> memref<1x40xi32, #tpu.memory_space<vmem>>
      %dma_start3A_396 = tpu.memref_squeeze %dma_start3A_395 : memref<1x40xi32, #tpu.memory_space<vmem>> -> memref<40xi32, #tpu.memory_space<vmem>>
      %dma_start3A_397 = arith.constant 0 : i32
      %dma_start3A_398 = arith.constant 0 : i32
      %dma_start3A_399 = tpu.memref_slice %arg8[%dma_start3A_397, %dma_start3A_398] : memref<10000x16xf32, #tpu.memory_space<vmem_shared>> -> memref<10000x16xf32, #tpu.memory_space<vmem_shared>>
      tpu.enqueue_indirect_dma source(%arg14 : memref<40x16xf32, #tpu.memory_space<vmem>>) target(%dma_start3A_399 : memref<10000x16xf32, #tpu.memory_space<vmem_shared>>) offsets(%dma_start3A_396 : memref<40xi32, #tpu.memory_space<vmem>>) semaphore(%arg19 : memref<!tpu.dma_semaphore, #tpu.memory_space<semaphore_mem>>) {add = true}
      %scan3A_400 = arith.constant 0 : i32
      scf.yield %scan3A_400 : i32
    }
    %scan3A_158 = arith.constant 82 : i32
    %dma_wait3A_159 = arith.constant 246 : i32
    %dma_wait3A_160 = arith.constant 0 : i32
    %dma_wait3A_161 = tpu.memref_slice %arg10[%dma_wait3A_159, %dma_wait3A_160] : memref<250x40xi32, #tpu.memory_space<vmem>> -> memref<1x40xi32, #tpu.memory_space<vmem>>
    %dma_wait3A_162 = tpu.memref_squeeze %dma_wait3A_161 : memref<1x40xi32, #tpu.memory_space<vmem>> -> memref<40xi32, #tpu.memory_space<vmem>>
    %dma_wait3A_163 = arith.constant 0 : i32
    %dma_wait3A_164 = arith.constant 0 : i32
    %dma_wait3A_165 = tpu.memref_slice %arg7[%dma_wait3A_163, %dma_wait3A_164] : memref<10000x128xf32, #tpu.memory_space<vmem_shared>> -> memref<10000x128xf32, #tpu.memory_space<vmem_shared>>
    tpu.wait_indirect_dma semaphore(%arg18 : memref<!tpu.dma_semaphore, #tpu.memory_space<semaphore_mem>>) src(%arg11 : memref<40x128xf32, #tpu.memory_space<vmem>>) dst(%dma_wait3A_165 : memref<10000x128xf32, #tpu.memory_space<vmem_shared>>)
    %dma_wait3A_166 = arith.constant 246 : i32
    %dma_wait3A_167 = arith.constant 0 : i32
    %dma_wait3A_168 = tpu.memref_slice %arg10[%dma_wait3A_166, %dma_wait3A_167] : memref<250x40xi32, #tpu.memory_space<vmem>> -> memref<1x40xi32, #tpu.memory_space<vmem>>
    %dma_wait3A_169 = tpu.memref_squeeze %dma_wait3A_168 : memref<1x40xi32, #tpu.memory_space<vmem>> -> memref<40xi32, #tpu.memory_space<vmem>>
    %dma_wait3A_170 = arith.constant 0 : i32
    %dma_wait3A_171 = arith.constant 0 : i32
    %dma_wait3A_172 = tpu.memref_slice %arg8[%dma_wait3A_170, %dma_wait3A_171] : memref<10000x16xf32, #tpu.memory_space<vmem_shared>> -> memref<10000x16xf32, #tpu.memory_space<vmem_shared>>
    tpu.wait_indirect_dma semaphore(%arg18 : memref<!tpu.dma_semaphore, #tpu.memory_space<semaphore_mem>>) src(%arg14 : memref<40x16xf32, #tpu.memory_space<vmem>>) dst(%dma_wait3A_172 : memref<10000x16xf32, #tpu.memory_space<vmem_shared>>)
    %dma_start3A_173 = arith.constant 249 : i32
    %dma_start3A_174 = arith.constant 0 : i32
    %dma_start3A_175 = tpu.memref_slice %arg9[%dma_start3A_173, %dma_start3A_174] : memref<250x40xi32, #tpu.memory_space<vmem>> -> memref<1x40xi32, #tpu.memory_space<vmem>>
    %dma_start3A_176 = tpu.memref_squeeze %dma_start3A_175 : memref<1x40xi32, #tpu.memory_space<vmem>> -> memref<40xi32, #tpu.memory_space<vmem>>
    %dma_start3A_177 = arith.constant 0 : i32
    %dma_start3A_178 = arith.constant 0 : i32
    %dma_start3A_179 = tpu.memref_slice %arg2[%dma_start3A_177, %dma_start3A_178] : memref<10000x128xf32, #tpu.memory_space<hbm>> -> memref<10000x128xf32, #tpu.memory_space<hbm>>
    tpu.enqueue_indirect_dma source(%dma_start3A_179 : memref<10000x128xf32, #tpu.memory_space<hbm>>) target(%arg11 : memref<40x128xf32, #tpu.memory_space<vmem>>) offsets(%dma_start3A_176 : memref<40xi32, #tpu.memory_space<vmem>>) semaphore(%arg15 : memref<!tpu.dma_semaphore, #tpu.memory_space<semaphore_mem>>)
    %dma_wait3A_180 = arith.constant 248 : i32
    %dma_wait3A_181 = arith.constant 0 : i32
    %dma_wait3A_182 = tpu.memref_slice %arg9[%dma_wait3A_180, %dma_wait3A_181] : memref<250x40xi32, #tpu.memory_space<vmem>> -> memref<1x40xi32, #tpu.memory_space<vmem>>
    %dma_wait3A_183 = tpu.memref_squeeze %dma_wait3A_182 : memref<1x40xi32, #tpu.memory_space<vmem>> -> memref<40xi32, #tpu.memory_space<vmem>>
    %dma_wait3A_184 = arith.constant 0 : i32
    %dma_wait3A_185 = arith.constant 0 : i32
    %dma_wait3A_186 = tpu.memref_slice %arg2[%dma_wait3A_184, %dma_wait3A_185] : memref<10000x128xf32, #tpu.memory_space<hbm>> -> memref<10000x128xf32, #tpu.memory_space<hbm>>
    tpu.wait_indirect_dma semaphore(%arg17 : memref<!tpu.dma_semaphore, #tpu.memory_space<semaphore_mem>>) src(%dma_wait3A_186 : memref<10000x128xf32, #tpu.memory_space<hbm>>) dst(%arg13 : memref<40x128xf32, #tpu.memory_space<vmem>>)
    %dma_start3A_187 = arith.constant 248 : i32
    %dma_start3A_188 = arith.constant 0 : i32
    %dma_start3A_189 = tpu.memref_slice %arg10[%dma_start3A_187, %dma_start3A_188] : memref<250x40xi32, #tpu.memory_space<vmem>> -> memref<1x40xi32, #tpu.memory_space<vmem>>
    %dma_start3A_190 = tpu.memref_squeeze %dma_start3A_189 : memref<1x40xi32, #tpu.memory_space<vmem>> -> memref<40xi32, #tpu.memory_space<vmem>>
    %dma_start3A_191 = arith.constant 0 : i32
    %dma_start3A_192 = arith.constant 0 : i32
    %dma_start3A_193 = tpu.memref_slice %arg7[%dma_start3A_191, %dma_start3A_192] : memref<10000x128xf32, #tpu.memory_space<vmem_shared>> -> memref<10000x128xf32, #tpu.memory_space<vmem_shared>>
    tpu.enqueue_indirect_dma source(%arg13 : memref<40x128xf32, #tpu.memory_space<vmem>>) target(%dma_start3A_193 : memref<10000x128xf32, #tpu.memory_space<vmem_shared>>) offsets(%dma_start3A_190 : memref<40xi32, #tpu.memory_space<vmem>>) semaphore(%arg20 : memref<!tpu.dma_semaphore, #tpu.memory_space<semaphore_mem>>) {add = true}
    %dma_start3A_194 = arith.constant 248 : i32
    %dma_start3A_195 = arith.constant 0 : i32
    %dma_start3A_196 = tpu.memref_slice %arg10[%dma_start3A_194, %dma_start3A_195] : memref<250x40xi32, #tpu.memory_space<vmem>> -> memref<1x40xi32, #tpu.memory_space<vmem>>
    %dma_start3A_197 = tpu.memref_squeeze %dma_start3A_196 : memref<1x40xi32, #tpu.memory_space<vmem>> -> memref<40xi32, #tpu.memory_space<vmem>>
    %dma_start3A_198 = arith.constant 0 : i32
    %dma_start3A_199 = arith.constant 0 : i32
    %dma_start3A_200 = tpu.memref_slice %arg8[%dma_start3A_198, %dma_start3A_199] : memref<10000x16xf32, #tpu.memory_space<vmem_shared>> -> memref<10000x16xf32, #tpu.memory_space<vmem_shared>>
    tpu.enqueue_indirect_dma source(%arg14 : memref<40x16xf32, #tpu.memory_space<vmem>>) target(%dma_start3A_200 : memref<10000x16xf32, #tpu.memory_space<vmem_shared>>) offsets(%dma_start3A_197 : memref<40xi32, #tpu.memory_space<vmem>>) semaphore(%arg20 : memref<!tpu.dma_semaphore, #tpu.memory_space<semaphore_mem>>) {add = true}
    %dma_wait3A_201 = arith.constant 247 : i32
    %dma_wait3A_202 = arith.constant 0 : i32
    %dma_wait3A_203 = tpu.memref_slice %arg10[%dma_wait3A_201, %dma_wait3A_202] : memref<250x40xi32, #tpu.memory_space<vmem>> -> memref<1x40xi32, #tpu.memory_space<vmem>>
    %dma_wait3A_204 = tpu.memref_squeeze %dma_wait3A_203 : memref<1x40xi32, #tpu.memory_space<vmem>> -> memref<40xi32, #tpu.memory_space<vmem>>
    %dma_wait3A_205 = arith.constant 0 : i32
    %dma_wait3A_206 = arith.constant 0 : i32
    %dma_wait3A_207 = tpu.memref_slice %arg7[%dma_wait3A_205, %dma_wait3A_206] : memref<10000x128xf32, #tpu.memory_space<vmem_shared>> -> memref<10000x128xf32, #tpu.memory_space<vmem_shared>>
    tpu.wait_indirect_dma semaphore(%arg19 : memref<!tpu.dma_semaphore, #tpu.memory_space<semaphore_mem>>) src(%arg12 : memref<40x128xf32, #tpu.memory_space<vmem>>) dst(%dma_wait3A_207 : memref<10000x128xf32, #tpu.memory_space<vmem_shared>>)
    %dma_wait3A_208 = arith.constant 247 : i32
    %dma_wait3A_209 = arith.constant 0 : i32
    %dma_wait3A_210 = tpu.memref_slice %arg10[%dma_wait3A_208, %dma_wait3A_209] : memref<250x40xi32, #tpu.memory_space<vmem>> -> memref<1x40xi32, #tpu.memory_space<vmem>>
    %dma_wait3A_211 = tpu.memref_squeeze %dma_wait3A_210 : memref<1x40xi32, #tpu.memory_space<vmem>> -> memref<40xi32, #tpu.memory_space<vmem>>
    %dma_wait3A_212 = arith.constant 0 : i32
    %dma_wait3A_213 = arith.constant 0 : i32
    %dma_wait3A_214 = tpu.memref_slice %arg8[%dma_wait3A_212, %dma_wait3A_213] : memref<10000x16xf32, #tpu.memory_space<vmem_shared>> -> memref<10000x16xf32, #tpu.memory_space<vmem_shared>>
    tpu.wait_indirect_dma semaphore(%arg19 : memref<!tpu.dma_semaphore, #tpu.memory_space<semaphore_mem>>) src(%arg14 : memref<40x16xf32, #tpu.memory_space<vmem>>) dst(%dma_wait3A_214 : memref<10000x16xf32, #tpu.memory_space<vmem_shared>>)
    %dma_wait3A_215 = arith.constant 249 : i32
    %dma_wait3A_216 = arith.constant 0 : i32
    %dma_wait3A_217 = tpu.memref_slice %arg9[%dma_wait3A_215, %dma_wait3A_216] : memref<250x40xi32, #tpu.memory_space<vmem>> -> memref<1x40xi32, #tpu.memory_space<vmem>>
    %dma_wait3A_218 = tpu.memref_squeeze %dma_wait3A_217 : memref<1x40xi32, #tpu.memory_space<vmem>> -> memref<40xi32, #tpu.memory_space<vmem>>
    %dma_wait3A_219 = arith.constant 0 : i32
    %dma_wait3A_220 = arith.constant 0 : i32
    %dma_wait3A_221 = tpu.memref_slice %arg2[%dma_wait3A_219, %dma_wait3A_220] : memref<10000x128xf32, #tpu.memory_space<hbm>> -> memref<10000x128xf32, #tpu.memory_space<hbm>>
    tpu.wait_indirect_dma semaphore(%arg15 : memref<!tpu.dma_semaphore, #tpu.memory_space<semaphore_mem>>) src(%dma_wait3A_221 : memref<10000x128xf32, #tpu.memory_space<hbm>>) dst(%arg11 : memref<40x128xf32, #tpu.memory_space<vmem>>)
    %dma_start3A_222 = arith.constant 249 : i32
    %dma_start3A_223 = arith.constant 0 : i32
    %dma_start3A_224 = tpu.memref_slice %arg10[%dma_start3A_222, %dma_start3A_223] : memref<250x40xi32, #tpu.memory_space<vmem>> -> memref<1x40xi32, #tpu.memory_space<vmem>>
    %dma_start3A_225 = tpu.memref_squeeze %dma_start3A_224 : memref<1x40xi32, #tpu.memory_space<vmem>> -> memref<40xi32, #tpu.memory_space<vmem>>
    %dma_start3A_226 = arith.constant 0 : i32
    %dma_start3A_227 = arith.constant 0 : i32
    %dma_start3A_228 = tpu.memref_slice %arg7[%dma_start3A_226, %dma_start3A_227] : memref<10000x128xf32, #tpu.memory_space<vmem_shared>> -> memref<10000x128xf32, #tpu.memory_space<vmem_shared>>
    tpu.enqueue_indirect_dma source(%arg11 : memref<40x128xf32, #tpu.memory_space<vmem>>) target(%dma_start3A_228 : memref<10000x128xf32, #tpu.memory_space<vmem_shared>>) offsets(%dma_start3A_225 : memref<40xi32, #tpu.memory_space<vmem>>) semaphore(%arg18 : memref<!tpu.dma_semaphore, #tpu.memory_space<semaphore_mem>>) {add = true}
    %dma_start3A_229 = arith.constant 249 : i32
    %dma_start3A_230 = arith.constant 0 : i32
    %dma_start3A_231 = tpu.memref_slice %arg10[%dma_start3A_229, %dma_start3A_230] : memref<250x40xi32, #tpu.memory_space<vmem>> -> memref<1x40xi32, #tpu.memory_space<vmem>>
    %dma_start3A_232 = tpu.memref_squeeze %dma_start3A_231 : memref<1x40xi32, #tpu.memory_space<vmem>> -> memref<40xi32, #tpu.memory_space<vmem>>
    %dma_start3A_233 = arith.constant 0 : i32
    %dma_start3A_234 = arith.constant 0 : i32
    %dma_start3A_235 = tpu.memref_slice %arg8[%dma_start3A_233, %dma_start3A_234] : memref<10000x16xf32, #tpu.memory_space<vmem_shared>> -> memref<10000x16xf32, #tpu.memory_space<vmem_shared>>
    tpu.enqueue_indirect_dma source(%arg14 : memref<40x16xf32, #tpu.memory_space<vmem>>) target(%dma_start3A_235 : memref<10000x16xf32, #tpu.memory_space<vmem_shared>>) offsets(%dma_start3A_232 : memref<40xi32, #tpu.memory_space<vmem>>) semaphore(%arg18 : memref<!tpu.dma_semaphore, #tpu.memory_space<semaphore_mem>>) {add = true}
    %dma_wait3A_236 = arith.constant 248 : i32
    %dma_wait3A_237 = arith.constant 0 : i32
    %dma_wait3A_238 = tpu.memref_slice %arg10[%dma_wait3A_236, %dma_wait3A_237] : memref<250x40xi32, #tpu.memory_space<vmem>> -> memref<1x40xi32, #tpu.memory_space<vmem>>
    %dma_wait3A_239 = tpu.memref_squeeze %dma_wait3A_238 : memref<1x40xi32, #tpu.memory_space<vmem>> -> memref<40xi32, #tpu.memory_space<vmem>>
    %dma_wait3A_240 = arith.constant 0 : i32
    %dma_wait3A_241 = arith.constant 0 : i32
    %dma_wait3A_242 = tpu.memref_slice %arg7[%dma_wait3A_240, %dma_wait3A_241] : memref<10000x128xf32, #tpu.memory_space<vmem_shared>> -> memref<10000x128xf32, #tpu.memory_space<vmem_shared>>
    tpu.wait_indirect_dma semaphore(%arg20 : memref<!tpu.dma_semaphore, #tpu.memory_space<semaphore_mem>>) src(%arg13 : memref<40x128xf32, #tpu.memory_space<vmem>>) dst(%dma_wait3A_242 : memref<10000x128xf32, #tpu.memory_space<vmem_shared>>)
    %dma_wait3A_243 = arith.constant 248 : i32
    %dma_wait3A_244 = arith.constant 0 : i32
    %dma_wait3A_245 = tpu.memref_slice %arg10[%dma_wait3A_243, %dma_wait3A_244] : memref<250x40xi32, #tpu.memory_space<vmem>> -> memref<1x40xi32, #tpu.memory_space<vmem>>
    %dma_wait3A_246 = tpu.memref_squeeze %dma_wait3A_245 : memref<1x40xi32, #tpu.memory_space<vmem>> -> memref<40xi32, #tpu.memory_space<vmem>>
    %dma_wait3A_247 = arith.constant 0 : i32
    %dma_wait3A_248 = arith.constant 0 : i32
    %dma_wait3A_249 = tpu.memref_slice %arg8[%dma_wait3A_247, %dma_wait3A_248] : memref<10000x16xf32, #tpu.memory_space<vmem_shared>> -> memref<10000x16xf32, #tpu.memory_space<vmem_shared>>
    tpu.wait_indirect_dma semaphore(%arg20 : memref<!tpu.dma_semaphore, #tpu.memory_space<semaphore_mem>>) src(%arg14 : memref<40x16xf32, #tpu.memory_space<vmem>>) dst(%dma_wait3A_249 : memref<10000x16xf32, #tpu.memory_space<vmem_shared>>)
    %dma_wait3A_250 = arith.constant 249 : i32
    %dma_wait3A_251 = arith.constant 0 : i32
    %dma_wait3A_252 = tpu.memref_slice %arg10[%dma_wait3A_250, %dma_wait3A_251] : memref<250x40xi32, #tpu.memory_space<vmem>> -> memref<1x40xi32, #tpu.memory_space<vmem>>
    %dma_wait3A_253 = tpu.memref_squeeze %dma_wait3A_252 : memref<1x40xi32, #tpu.memory_space<vmem>> -> memref<40xi32, #tpu.memory_space<vmem>>
    %dma_wait3A_254 = arith.constant 0 : i32
    %dma_wait3A_255 = arith.constant 0 : i32
    %dma_wait3A_256 = tpu.memref_slice %arg7[%dma_wait3A_254, %dma_wait3A_255] : memref<10000x128xf32, #tpu.memory_space<vmem_shared>> -> memref<10000x128xf32, #tpu.memory_space<vmem_shared>>
    tpu.wait_indirect_dma semaphore(%arg18 : memref<!tpu.dma_semaphore, #tpu.memory_space<semaphore_mem>>) src(%arg11 : memref<40x128xf32, #tpu.memory_space<vmem>>) dst(%dma_wait3A_256 : memref<10000x128xf32, #tpu.memory_space<vmem_shared>>)
    %dma_wait3A_257 = arith.constant 249 : i32
    %dma_wait3A_258 = arith.constant 0 : i32
    %dma_wait3A_259 = tpu.memref_slice %arg10[%dma_wait3A_257, %dma_wait3A_258] : memref<250x40xi32, #tpu.memory_space<vmem>> -> memref<1x40xi32, #tpu.memory_space<vmem>>
    %dma_wait3A_260 = tpu.memref_squeeze %dma_wait3A_259 : memref<1x40xi32, #tpu.memory_space<vmem>> -> memref<40xi32, #tpu.memory_space<vmem>>
    %dma_wait3A_261 = arith.constant 0 : i32
    %dma_wait3A_262 = arith.constant 0 : i32
    %dma_wait3A_263 = tpu.memref_slice %arg8[%dma_wait3A_261, %dma_wait3A_262] : memref<10000x16xf32, #tpu.memory_space<vmem_shared>> -> memref<10000x16xf32, #tpu.memory_space<vmem_shared>>
    tpu.wait_indirect_dma semaphore(%arg18 : memref<!tpu.dma_semaphore, #tpu.memory_space<semaphore_mem>>) src(%arg14 : memref<40x16xf32, #tpu.memory_space<vmem>>) dst(%dma_wait3A_263 : memref<10000x16xf32, #tpu.memory_space<vmem_shared>>)
    %barrier3A_264 = arith.constant 0 : index
    tpu.barrier barrier_id(%barrier3A_264)
    %mul3A_265 = arith.constant 10000 : i32
    %mul3A_266 = arith.muli %arg0, %mul3A_265 : i32
    %add3A_267 = arith.addi %mul3A_266, %mul3A_15 : i32
    "tpu.region"() ({
      %run_scoped3A = tpu.sem_alloc : memref<!tpu.dma_semaphore, #tpu.memory_space<semaphore_mem>>
      %dma_start3A_271 = arith.constant 0 : i32
      %dma_start3A_272 = tpu.memref_slice %arg5[%add3A_267, %dma_start3A_271] : memref<20000x128xf32, #tpu.memory_space<hbm>> -> memref<625x128xf32, #tpu.memory_space<hbm>>
      %dma_start3A_273 = arith.constant 0 : i32
      %dma_start3A_274 = tpu.memref_slice %arg7[%mul3A_15, %dma_start3A_273] : memref<10000x128xf32, #tpu.memory_space<vmem_shared>> -> memref<625x128xf32, #tpu.memory_space<vmem_shared>>
      tpu.enqueue_dma source(%dma_start3A_274 : memref<625x128xf32, #tpu.memory_space<vmem_shared>>) target(%dma_start3A_272 : memref<625x128xf32, #tpu.memory_space<hbm>>) target_semaphore(%run_scoped3A : memref<!tpu.dma_semaphore, #tpu.memory_space<semaphore_mem>>)
      %dma_wait3A_275 = arith.constant 0 : i32
      %dma_wait3A_276 = tpu.memref_slice %arg5[%add3A_267, %dma_wait3A_275] : memref<20000x128xf32, #tpu.memory_space<hbm>> -> memref<625x128xf32, #tpu.memory_space<hbm>>
      %dma_wait3A_277 = arith.constant 0 : i32
      %dma_wait3A_278 = tpu.memref_slice %arg7[%mul3A_15, %dma_wait3A_277] : memref<10000x128xf32, #tpu.memory_space<vmem_shared>> -> memref<625x128xf32, #tpu.memory_space<vmem_shared>>
      tpu.wait_dma2 semaphore(%run_scoped3A : memref<!tpu.dma_semaphore, #tpu.memory_space<semaphore_mem>>) src(%dma_wait3A_278 : memref<625x128xf32, #tpu.memory_space<vmem_shared>>) dst(%dma_wait3A_276 : memref<625x128xf32, #tpu.memory_space<hbm>>)
      tpu.yield
    }) : () -> ()
    %mul3A_268 = arith.constant 10000 : i32
    %mul3A_269 = arith.muli %arg0, %mul3A_268 : i32
    %add3A_270 = arith.addi %mul3A_269, %mul3A_15 : i32
    "tpu.region"() ({
      %run_scoped3A = tpu.sem_alloc : memref<!tpu.dma_semaphore, #tpu.memory_space<semaphore_mem>>
      %dma_start3A_271 = arith.constant 0 : i32
      %dma_start3A_272 = tpu.memref_slice %arg6[%add3A_270, %dma_start3A_271] : memref<20000x16xf32, #tpu.memory_space<hbm>> -> memref<625x16xf32, #tpu.memory_space<hbm>>
      %dma_start3A_273 = arith.constant 0 : i32
      %dma_start3A_274 = tpu.memref_slice %arg8[%mul3A_15, %dma_start3A_273] : memref<10000x16xf32, #tpu.memory_space<vmem_shared>> -> memref<625x16xf32, #tpu.memory_space<vmem_shared>>
      tpu.enqueue_dma source(%dma_start3A_274 : memref<625x16xf32, #tpu.memory_space<vmem_shared>>) target(%dma_start3A_272 : memref<625x16xf32, #tpu.memory_space<hbm>>) target_semaphore(%run_scoped3A : memref<!tpu.dma_semaphore, #tpu.memory_space<semaphore_mem>>)
      %dma_wait3A_275 = arith.constant 0 : i32
      %dma_wait3A_276 = tpu.memref_slice %arg6[%add3A_270, %dma_wait3A_275] : memref<20000x16xf32, #tpu.memory_space<hbm>> -> memref<625x16xf32, #tpu.memory_space<hbm>>
      %dma_wait3A_277 = arith.constant 0 : i32
      %dma_wait3A_278 = tpu.memref_slice %arg8[%mul3A_15, %dma_wait3A_277] : memref<10000x16xf32, #tpu.memory_space<vmem_shared>> -> memref<625x16xf32, #tpu.memory_space<vmem_shared>>
      tpu.wait_dma2 semaphore(%run_scoped3A : memref<!tpu.dma_semaphore, #tpu.memory_space<semaphore_mem>>) src(%dma_wait3A_278 : memref<625x16xf32, #tpu.memory_space<vmem_shared>>) dst(%dma_wait3A_276 : memref<625x16xf32, #tpu.memory_space<hbm>>)
      tpu.yield
    }) : () -> ()
    return
  }
}

module attributes {stable_mosaic.version = 14 : i64} {
  func.func @_tc_body(%arg0: i32, %arg1: memref<1000x128xf32, #tpu.memory_space<vmem>>, %arg2: memref<1000x128xf32, #tpu.memory_space<vmem>>, %arg3: memref<1000x16xf32, #tpu.memory_space<vmem>>, %arg4: memref<1000x16xf32, #tpu.memory_space<vmem>>, %arg5: memref<1000x128xf32, #tpu.memory_space<vmem>>, %arg6: memref<128x128xf32, #tpu.memory_space<vmem>>, %arg7: memref<128x128xf32, #tpu.memory_space<vmem>>, %arg8: memref<1x128xf32, #tpu.memory_space<vmem>>, %arg9: memref<128x64xf32, #tpu.memory_space<vmem>>, %arg10: memref<1x64xf32, #tpu.memory_space<vmem>>, %arg11: memref<1000x64xf32, #tpu.memory_space<vmem>>) attributes {dimension_semantics = [#tpu.dimension_semantics<arbitrary>], iteration_bounds = array<i64: 10>, scalar_prefetch = 0 : i64, scratch_operands = 0 : i64, tpu.core_type = #tpu.core_type<tc>, window_params = [{transform_indices = @transform_0, window_bounds = array<i64: 1000, 128>}, {transform_indices = @transform_1, window_bounds = array<i64: 1000, 128>}, {transform_indices = @transform_2, window_bounds = array<i64: 1000, 16>}, {transform_indices = @transform_3, window_bounds = array<i64: 1000, 16>}, {transform_indices = @transform_4, window_bounds = array<i64: 1000, 128>}, {pipeline_mode = #tpu.pipeline_mode<synchronous>, transform_indices = @transform_5, window_bounds = array<i64: 128, 128>}, {pipeline_mode = #tpu.pipeline_mode<synchronous>, transform_indices = @transform_6, window_bounds = array<i64: 128, 128>}, {pipeline_mode = #tpu.pipeline_mode<synchronous>, transform_indices = @transform_7, window_bounds = array<i64: 1, 128>}, {pipeline_mode = #tpu.pipeline_mode<synchronous>, transform_indices = @transform_8, window_bounds = array<i64: 128, 64>}, {pipeline_mode = #tpu.pipeline_mode<synchronous>, transform_indices = @transform_9, window_bounds = array<i64: 1, 64>}, {transform_indices = @transform_10, window_bounds = array<i64: 1000, 64>}]} {
    %get3A = arith.constant 0 : index
    %get3A_0 = arith.constant 0 : index
    %get3A_1 = vector.load %arg3[%get3A, %get3A_0] : memref<1000x16xf32, #tpu.memory_space<vmem>>, vector<1000x1xf32>
    %get3A_2 = arith.constant 0 : index
    %get3A_3 = arith.constant 0 : index
    %get3A_4 = vector.load %arg4[%get3A_2, %get3A_3] : memref<1000x16xf32, #tpu.memory_space<vmem>>, vector<1000x1xf32>
    %add3A = arith.addf %get3A_1, %get3A_4 : vector<1000x1xf32>
    %max3A = arith.constant 1.000000e+00 : f32
    %max3A_5 = vector.broadcast %max3A : f32 to vector<1000x1xf32>
    %max3A_6 = arith.maximumf %add3A, %max3A_5 : vector<1000x1xf32>
    %get3A_7 = arith.constant 0 : index
    %get3A_8 = arith.constant 0 : index
    %get3A_9 = vector.load %arg1[%get3A_7, %get3A_8] : memref<1000x128xf32, #tpu.memory_space<vmem>>, vector<1000x128xf32>
    %get3A_10 = arith.constant 0 : index
    %get3A_11 = arith.constant 0 : index
    %get3A_12 = vector.load %arg2[%get3A_10, %get3A_11] : memref<1000x128xf32, #tpu.memory_space<vmem>>, vector<1000x128xf32>
    %add3A_13 = arith.addf %get3A_9, %get3A_12 : vector<1000x128xf32>
    %div3A = vector.broadcast %max3A_6 : vector<1000x1xf32> to vector<1000x128xf32>
    %div3A_14 = arith.divf %add3A_13, %div3A : vector<1000x128xf32>
    %get3A_15 = arith.constant 0 : index
    %get3A_16 = arith.constant 0 : index
    %get3A_17 = vector.load %arg5[%get3A_15, %get3A_16] : memref<1000x128xf32, #tpu.memory_space<vmem>>, vector<1000x128xf32>
    %get3A_18 = arith.constant 0 : index
    %get3A_19 = arith.constant 0 : index
    %get3A_20 = vector.load %arg6[%get3A_18, %get3A_19] : memref<128x128xf32, #tpu.memory_space<vmem>>, vector<128x128xf32>
    %dot_general3A = arith.constant dense<0.000000e+00> : vector<1000x128xf32>
    %dot_general3A_21 = tpu.matmul %get3A_17, %get3A_20, %dot_general3A {dimension_numbers = #tpu.dot_dimension_numbers<[1], [0], [0], [1], [0, 0, 1, 1], [], []>, transpose_lhs_hint = false} : vector<1000x128xf32>, vector<128x128xf32>, vector<1000x128xf32> -> vector<1000x128xf32>
    %get3A_22 = arith.constant 0 : index
    %get3A_23 = arith.constant 0 : index
    %get3A_24 = vector.load %arg7[%get3A_22, %get3A_23] : memref<128x128xf32, #tpu.memory_space<vmem>>, vector<128x128xf32>
    %dot_general3A_25 = arith.constant dense<0.000000e+00> : vector<1000x128xf32>
    %dot_general3A_26 = tpu.matmul %div3A_14, %get3A_24, %dot_general3A_25 {dimension_numbers = #tpu.dot_dimension_numbers<[1], [0], [0], [1], [0, 0, 1, 1], [], []>, transpose_lhs_hint = false} : vector<1000x128xf32>, vector<128x128xf32>, vector<1000x128xf32> -> vector<1000x128xf32>
    %add3A_27 = arith.addf %dot_general3A_21, %dot_general3A_26 : vector<1000x128xf32>
    %get3A_28 = arith.constant 0 : index
    %get3A_29 = arith.constant 0 : index
    %get3A_30 = vector.load %arg8[%get3A_28, %get3A_29] : memref<1x128xf32, #tpu.memory_space<vmem>>, vector<1x128xf32>
    %add3A_31 = vector.broadcast %get3A_30 : vector<1x128xf32> to vector<1000x128xf32>
    %add3A_32 = arith.addf %add3A_27, %add3A_31 : vector<1000x128xf32>
    %max3A_33 = arith.constant 0.000000e+00 : f32
    %max3A_34 = vector.broadcast %max3A_33 : f32 to vector<1000x128xf32>
    %max3A_35 = arith.maximumf %add3A_32, %max3A_34 : vector<1000x128xf32>
    %get3A_36 = arith.constant 0 : index
    %get3A_37 = arith.constant 0 : index
    %get3A_38 = vector.load %arg9[%get3A_36, %get3A_37] : memref<128x64xf32, #tpu.memory_space<vmem>>, vector<128x64xf32>
    %dot_general3A_39 = arith.constant dense<0.000000e+00> : vector<1000x64xf32>
    %dot_general3A_40 = tpu.matmul %max3A_35, %get3A_38, %dot_general3A_39 {dimension_numbers = #tpu.dot_dimension_numbers<[1], [0], [0], [1], [0, 0, 1, 1], [], []>, transpose_lhs_hint = false} : vector<1000x128xf32>, vector<128x64xf32>, vector<1000x64xf32> -> vector<1000x64xf32>
    %get3A_41 = arith.constant 0 : index
    %get3A_42 = arith.constant 0 : index
    %get3A_43 = vector.load %arg10[%get3A_41, %get3A_42] : memref<1x64xf32, #tpu.memory_space<vmem>>, vector<1x64xf32>
    %add3A_44 = vector.broadcast %get3A_43 : vector<1x64xf32> to vector<1000x64xf32>
    %add3A_45 = arith.addf %dot_general3A_40, %add3A_44 : vector<1000x64xf32>
    %swap3A = arith.constant 0 : index
    %swap3A_46 = arith.constant 0 : index
    %swap3A_47 = vector.load %arg11[%swap3A, %swap3A_46] : memref<1000x64xf32, #tpu.memory_space<vmem>>, vector<1000x64xf32>
    tpu.vector_store %arg11[%swap3A, %swap3A_46], %add3A_45 {strides = array<i32>} : memref<1000x64xf32, #tpu.memory_space<vmem>>, vector<1000x64xf32>,
    return
  }
  func.func @transform_0(%arg0: i32) -> (i32, i32) {
    %c0_i32 = arith.constant 0 : i32
    %c0_i32_0 = arith.constant 0 : i32
    return %arg0, %c0_i32 : i32, i32
  }
  func.func @transform_1(%arg0: i32) -> (i32, i32) {
    %add3A = arith.constant 10 : i32
    %add3A_0 = arith.addi %arg0, %add3A : i32
    %c0_i32 = arith.constant 0 : i32
    %c0_i32_1 = arith.constant 0 : i32
    return %add3A_0, %c0_i32 : i32, i32
  }
  func.func @transform_2(%arg0: i32) -> (i32, i32) {
    %c0_i32 = arith.constant 0 : i32
    %c0_i32_0 = arith.constant 0 : i32
    return %arg0, %c0_i32 : i32, i32
  }
  func.func @transform_3(%arg0: i32) -> (i32, i32) {
    %add3A = arith.constant 10 : i32
    %add3A_0 = arith.addi %arg0, %add3A : i32
    %c0_i32 = arith.constant 0 : i32
    %c0_i32_1 = arith.constant 0 : i32
    return %add3A_0, %c0_i32 : i32, i32
  }
  func.func @transform_4(%arg0: i32) -> (i32, i32) {
    %c0_i32 = arith.constant 0 : i32
    %c0_i32_0 = arith.constant 0 : i32
    return %arg0, %c0_i32 : i32, i32
  }
  func.func @transform_5(%arg0: i32) -> (i32, i32) {
    %c0_i32 = arith.constant 0 : i32
    %c0_i32_0 = arith.constant 0 : i32
    %c0_i32_1 = arith.constant 0 : i32
    return %c0_i32, %c0_i32_0 : i32, i32
  }
  func.func @transform_6(%arg0: i32) -> (i32, i32) {
    %c0_i32 = arith.constant 0 : i32
    %c0_i32_0 = arith.constant 0 : i32
    %c0_i32_1 = arith.constant 0 : i32
    return %c0_i32, %c0_i32_0 : i32, i32
  }
  func.func @transform_7(%arg0: i32) -> (i32, i32) {
    %c0_i32 = arith.constant 0 : i32
    %c0_i32_0 = arith.constant 0 : i32
    %c0_i32_1 = arith.constant 0 : i32
    return %c0_i32, %c0_i32_0 : i32, i32
  }
  func.func @transform_8(%arg0: i32) -> (i32, i32) {
    %c0_i32 = arith.constant 0 : i32
    %c0_i32_0 = arith.constant 0 : i32
    %c0_i32_1 = arith.constant 0 : i32
    return %c0_i32, %c0_i32_0 : i32, i32
  }
  func.func @transform_9(%arg0: i32) -> (i32, i32) {
    %c0_i32 = arith.constant 0 : i32
    %c0_i32_0 = arith.constant 0 : i32
    %c0_i32_1 = arith.constant 0 : i32
    return %c0_i32, %c0_i32_0 : i32, i32
  }
  func.func @transform_10(%arg0: i32) -> (i32, i32) {
    %c0_i32 = arith.constant 0 : i32
    %c0_i32_0 = arith.constant 0 : i32
    return %arg0, %c0_i32 : i32, i32
  }
}

</mosaic_0001>

<sc_bundles>
// kernel: kernel.4.cloned.1.call-start
scs
__scs_entry_jumppad:
0x0: {  	(pc) =	sbr.rel $0x88, $3  }
0x1: {  	(tag) =	ssettag $0x0;
	lr =	simm.s32 $0x1  }
0x2: {  	[smem:$0x3F9A] =	sst lr;
	_ =	strace $0xD0000000  }
0x3: {  	_ = 	snop  }
0x4: {  	_ = 	snop  }
0x5: {  	_ = 	snop  }
0x6: {  	_ = 	snop  }
0x7: {  	_ = 	snop  }
__scs_overlays_trampoline_lowered:
0x8: {  	[smem:$0x3FA9] =	sst s0  }
0x9: {  	[smem:$0x3FAA] =	sst s1  }
0xa: {  	[smem:$0x3FAB] =	sst s2  }
0xb: {  	[smem:$0x3FAC] =	sst s3  }
0xc: {  	[smem:$0x3FAD] =	sst s4  }
0xd: {  	[smem:$0x3FAE] =	sst s5  }
0xe: {  	[smem:$0x3FAF] =	sst s6  }
0xf: {  	[smem:$0x3FB0] =	sst s7  }
0x10: {  	[smem:$0x3FB1] =	sst s8  }
0x11: {  	[smem:$0x3FB2] =	sst s9;
	s0 =	simm.s32 @!p0 $0x0  }
0x12: {  	s1 =	sld [smem:$0x3F98];
	s0 =	simm.s32 @p0 $0x1  }
0x13: {  	[smem:$0x3FB3] =	sst s0;
	s0 =	simm.s32 @!p1 $0x0  }
0x14: {  	s2 =	sld [smem:$0x3F97];
	s0 =	simm.s32 @p1 $0x1  }
0x15: {  	[smem:$0x3FB4] =	sst s0;
	s0 =	simm.s32 @!p2 $0x0  }
0x16: {  	s3 =	sld [smem:$0x3FDB];
	s0 =	simm.s32 @p2 $0x1  }
0x17: {  	s4 =	simm.s32 $0x1BF5;
	[smem:$0x3FB6] =	sst s0  }
0x18: {  	s0 =	sld [smem:$0x3F99];
	_ =	swait.ge [sflag:s4], $0x0  }
0x19: {  	s7 =	sld [smem:$0x3F9A]  }
0x1a: {  	s8 =	sadd.s32 $0xFFFFE003, lr  }
0x1b: {  	s9 =	sadd.s32 $0xFFFFFEF7, lr;
	s5 =	simm.s32 $0xFFFFFFFF;
	p2 =	slt.u32 s8, $0xFFFFF086  }
0x1c: {  	p1 =	slt.u32 s9, $0xF7A;
	s5 =	simm.s32 @!p2 $0x0  }
0x1d: {  	s5 =	simm.s32 @p1 $0x1;
	p0 =	seq.s32 s7, s2  }
0x1e: {  	s7 =	smul.u32 @!p0 $0xF7A, s2;
	p2 =	seq.s32 @!p0 s5, $0x0  }
0x1f: {  	s9 =	smul.u32 $0xF7A, s1;
	s8 =	simm.s32 @!p0 $0x1BF5;
	p2 =	por !p2, p0  }
0x20: {  	[sflag:s8] =	ssyncset.s32 @!p0 $0xFFFFF086;
	s6 =	sadd.s32 @!p0 s3, s7;
	s7 =	simm.s32 @!p0 $0x108  }
0x21: {  	s3 =	sadd.s32 s3, s9;
	s6 =	sadd.s32 @!p0 $0x88, s6;
	s7 =	simm.s32 @p2 $0x1082  }
0x22: {  	[simem:s7], [sflag:s8] =	dma.local @!p0 [hbm:s6], $0xF7A  }
0x23: {  	s9 =	sor.u32 $0xD0000000, s2;
	s6 =	simm.s32 $0x108;
	_ =	swait.ge @!p0 [sflag:s8], $0x0  }
0x24: {  	s3 =	sadd.s32 $0x88, s3;
	s6 =	simm.s32 @!p1 $0x1082;
	[sflag:s4] =	ssyncset.s32 $0xFFFFF086  }
0x25: {  	[simem:s6], [sflag:s4] =	dma.local [hbm:s3], $0xF7A  }
0x26: {  	[smem:$0x3F9A] =	sst s1;
	(tag) =	ssettag s2;
	_ =	strace s9  }
0x27: {  	s1 =	sld [smem:$0x3FAA]  }
0x28: {  	s2 =	sld [smem:$0x3FAB]  }
0x29: {  	s4 =	sld [smem:$0x3FAD]  }
0x2a: {  	p0 =	seq.s32 s5, $0x0;
	s5 =	sld [smem:$0x3FAE]  }
0x2b: {  	s6 =	sld [smem:$0x3FAF]  }
0x2c: {  	s7 =	sld [smem:$0x3FB0]  }
0x2d: {  	s3 =	simm.s32 $0x108;
	s8 =	sld [smem:$0x3FB1]  }
0x2e: {  	s3 =	simm.s32 @!p0 $0x1082;
	s9 =	sld [smem:$0x3FB2]  }
0x2f: {  	lr =	sadd.s32 s0, s3;
	s0 =	sld [smem:$0x3FA9]  }
0x30: {  	s3 =	sld [smem:$0x3FAC]  }
0x31: {  	[smem:$0x3FB5] =	sst s10  }
0x32: {  	s10 =	sld [smem:$0x3FB3];
	_ =	sdelay $0x3  }
0x33: {  	p0 =	seq.s32 s10, $0x1;
	s10 =	sld [smem:$0x3FB5];
	_ =	sdelay $0x3  }
0x34: {  	[smem:$0x3FB5] =	sst s10  }
0x35: {  	s10 =	sld [smem:$0x3FB4];
	_ =	sdelay $0x3  }
0x36: {  	p1 =	seq.s32 s10, $0x1;
	s10 =	sld [smem:$0x3FB5];
	_ =	sdelay $0x3  }
0x37: {  	[smem:$0x3FB5] =	sst s10  }
0x38: {  	s10 =	sld [smem:$0x3FB6]  }
0x39: {  	_ = 	snop;
	(pc) =	sbr.ind lr, $3  }
0x3a: {  	_ = 	snop  }
0x3b: {  	_ = 	snop  }
0x3c: {  	p2 =	seq.s32 s10, $0x1;
	s10 =	sld [smem:$0x3FB5]  }
0x3d: {  	_ =	shalt  }
0x3e: {  	_ =	shalt  }
0x3f: {  	_ =	shalt  }
0x40: {  	_ =	shalt  }
0x41: {  	_ =	shalt  }
0x42: {  	_ =	shalt  }
0x43: {  	_ =	shalt  }
0x44: {  	_ =	shalt  }
0x45: {  	_ =	shalt  }
0x46: {  	_ =	shalt  }
0x47: {  	_ =	shalt  }
0x48: {  	_ =	shalt  }
0x49: {  	_ =	shalt  }
0x4a: {  	_ =	shalt  }
0x4b: {  	_ =	shalt  }
0x4c: {  	_ =	shalt  }
0x4d: {  	_ =	shalt  }
0x4e: {  	_ =	shalt  }
0x4f: {  	_ =	shalt  }
0x50: {  	_ =	shalt  }
0x51: {  	_ =	shalt  }
0x52: {  	_ =	shalt  }
0x53: {  	_ =	shalt  }
0x54: {  	_ =	shalt  }
0x55: {  	_ =	shalt  }
0x56: {  	_ =	shalt  }
0x57: {  	_ =	shalt  }
0x58: {  	_ =	shalt  }
0x59: {  	_ =	shalt  }
0x5a: {  	_ =	shalt  }
0x5b: {  	_ =	shalt  }
0x5c: {  	_ =	shalt  }
0x5d: {  	_ =	shalt  }
0x5e: {  	_ =	shalt  }
0x5f: {  	_ =	shalt  }
0x60: {  	_ =	shalt  }
0x61: {  	_ =	shalt  }
0x62: {  	_ =	shalt  }
0x63: {  	_ =	shalt  }
0x64: {  	_ =	shalt  }
0x65: {  	_ =	shalt  }
0x66: {  	_ =	shalt  }
0x67: {  	_ =	shalt  }
0x68: {  	_ =	shalt  }
0x69: {  	_ =	shalt  }
0x6a: {  	_ =	shalt  }
0x6b: {  	_ =	shalt  }
0x6c: {  	_ =	shalt  }
0x6d: {  	_ =	shalt  }
0x6e: {  	_ =	shalt  }
0x6f: {  	_ =	shalt  }
0x70: {  	_ =	shalt  }
0x71: {  	_ =	shalt  }
0x72: {  	_ =	shalt  }
0x73: {  	_ =	shalt  }
0x74: {  	_ =	shalt  }
0x75: {  	_ =	shalt  }
0x76: {  	_ =	shalt  }
0x77: {  	_ =	shalt  }
0x78: {  	_ =	shalt  }
0x79: {  	_ =	shalt  }
0x7a: {  	_ =	shalt  }
0x7b: {  	_ =	shalt  }
0x7c: {  	_ =	shalt  }
0x7d: {  	_ =	shalt  }
0x7e: {  	_ =	shalt  }
0x7f: {  	_ =	shalt  }
0x80: {  	_ =	shalt  }
0x81: {  	_ =	shalt  }
0x82: {  	_ =	shalt  }
0x83: {  	_ =	shalt  }
0x84: {  	_ =	shalt  }
0x85: {  	_ =	shalt  }
0x86: {  	_ =	shalt  }
0x87: {  	_ =	shalt  }
.Lfunc_end0:
.L_simem_size_0:
called_computation_lowered:
.L_overlay_start_0:
0x88: {  	s2 =	sld [smem:$0x3FD9]  }
0x89: {  	s3 =	sld [smem:$0x3FFE];
	_ =	sdelay $0x1  }
0x8a: {  	s1 =	srdreg.scid  }
0x8b: {  	s0 =	sand.u32 $0x1, s1  }
0x8c: {  	s17 =	sshll.u32 s0, $0xA;
	s2 =	sadd.s32 s3, s2  }
0x8d: {  	s2 =	sadd.s32 s2, s17  }
0x8e: {  	[smem:$0x3FC1] =	sst s2  }
0x8f: {  	_ = 	snop  }
0x90: {  	s2 =	sld [smem:$0x3FC9]  }
0x91: {  	s18 =	sld [smem:$0x3FD0];
	(tm) =	ssettm $0x1  }
0x92: {  	s4 =	sld [smem:$0x3FFB];
	_ =	sdelay $0x3  }
0x93: {  	_ =	strace s4  }
0x94: {  	s4 =	sld [smem:$0x3FFC];
	_ =	sdelay $0x3  }
0x95: {  	_ =	strace s4  }
0x96: {  	s4 =	sld [smem:$0x3FFD];
	_ =	sdelay $0x3  }
0x97: {  	_ =	strace s4  }
0x98: {  	_ =	strace $0x8FFFFFFF  }
0x99: {  	s19 =	sld [smem:$0x3FDB];
	_ =	sdelay $0x1  }
0x9a: {  	s5 =	simm.s32 $_scs_section_size  }
0x9b: {  	s6 =	simm.s32 $_size__tile_overlayer_lowered;
	s7 =	simm.s32 $_tile_overlayer_lowered  }
0x9c: {  	s22 =	simm.s32 $0x1BFF;
	s21 =	sshll.u32 s7, $0x1;
	s4 =	sadd.s32 s5, s19  }
0x9d: {  	s8 =	simm.s32 $0x0;
	s20 =	sshll.u32 s6, $0x1;
	s6 =	sadd.s32 s21, s4  }
0x9e: {  	[timem:s8], [sflag:s22] =	dma.local [hbm:s6], s20  }
0x9f: {  	_ =	swait.ge [sflag:s22], s20  }
0xa0: {  	s5 =	ssub.s32 $0x0, s20;
	[sflag:s22] =	ssyncset.done $0x0  }
0xa1: {  	[sflag:s22] =	ssyncadd.s32 s5;
	_ =	sdelay $0x1  }
0xa2: {  	s23 =	simm.s32 $0x1B8B  }
0xa3: {  	_ =	swait.ge [sflag:s23], $0x1  }
0xa4: {  	[sflag:s23] =	ssyncset.done $0x0  }
0xa5: {  	s25 =	simm.s32 $0x1B8E;
	s24 =	sld [smem:$0x3FFE];
	[sflag:s23] =	ssyncadd.s32 $0xFFFFFFFF  }
0xa6: {  	s26 =	simm.s32 $execute0_lowered;
	[smem:$0x3FD2] =	sst s25  }
0xa7: {  	s6 =	sshll.u32 s26, $0x1;
	_ =	strace $0x80000046;
	[dreg:$0x1] =	wrdreg $0xFFFFFFFF  }
0xa8: {  	s28 =	simm.s32 $_size_execute0_lowered;
	s4 =	sadd.s32 s4, s6;
	[dreg:$0x0] =	wrdreg $0x0  }
0xa9: {  	s6 =	sshll.u32 s28, $0x1;
	[dreg:$0x2] =	wrdreg s4  }
0xaa: {  	[dreg:$0x3] =	wrdreg s6  }
0xab: {  	[dreg:$0x4] =	wrdreg $0xC0  }
0xac: {  	_ =	task [dreg:s8], $0x5FFFF  }
0xad: {  	[dreg:$0x1] =	wrdreg $0xFFFFFFFF  }
0xae: {  	[dreg:$0x0] =	wrdreg $0x60  }
0xaf: {  	[dreg:$0x2] =	wrdreg s2  }
0xb0: {  	[dreg:$0x3] =	wrdreg s24  }
0xb1: {  	[dreg:$0x4] =	wrdreg s18  }
0xb2: {  	[dreg:$0x5] =	wrdreg $0x0  }
0xb3: {  	[dreg:$0x6] =	wrdreg $0x138800  }
0xb4: {  	[dreg:$0x7] =	wrdreg $0x9  }
0xb5: {  	_ =	task.clear_ibuf [dreg:s8], $0x8FFFF;
	_ =	strace $0x90000046  }
0xb6: {  	s29 =	simm.s32 $0x9;
	_ =	strace $0x80000048  }
0xb7: {  	_ =	swait.ge [sflag:s29], $0x1  }
0xb8: {  	[sflag:s29] =	ssyncadd.s32 $0xFFFFFFFF  }
0xb9: {  	_ =	strace $0x90000048  }
0xba: {  	_ =	sfence  }
0xbb: {  	s30 =	sld [smem:$0x0];
	_ =	sdelay $0x2  }
0xbc: {  	s31 =	sshll.u32 s1, $0xD;
	s1 =	sshrl.u32 s1, $0x2  }
0xbd: {  	s3 =	sand.u32 $0x4000, s31;
	s1 =	sadd.s32 s1, s30  }
0xbe: {  	s0 =	sor.u32 s3, s0;
	s1 =	sshll.u32 s1, $0x11  }
0xbf: {  	s0 =	sor.u32 s1, s0  }
0xc0: {  	s0 =	sadd.s32 $0x8F2B, s0  }
0xc1: {  	[sflag:s0] =	ssyncadd.remote.s32 $0x1  }
0xc2: {  	_ =	sfence.sel $0xFFFF  }
0xc3: {  	[dreg:$0x0] =	wrdreg $0xFFFFFFFF;
	(pc) =	sbr.abs _section_cstart, $3  }
0xc4: {  	[dreg:$0x1] =	wrdreg $0xFFFFFFFF  }
0xc5: {  	_ =	task.clear_ibuf [dreg:s8], $0x2FFFF;
	_ =	strace $0x9FFFFFFF  }
0xc6: {  	(tm) =	ssettm $0x7FFFFFFF  }
0xc7: {  	_ =	shalt  }
tec
execute0_lowered:
.L_overlay_start_1:
0x0: {  	(tag) =	ssettag $0x1  }
0x1: {  	s1 =	rddreg [dreg:$0x0]  }
0x2: {  	s6 =	rddreg [dreg:$0x1]  }
0x3: {  	s10 =	rddreg [dreg:$0x2]  }
0x4: {  	s0 =	srdreg.scid;
	s3 =	rddreg [dreg:$0x3]  }
0x5: {  	s14 =	stileid.u32;
	s4 =	rddreg [dreg:$0x4]  }
0x6: {  	s12 =	simm.s32 $0x0;
	s28 =	simm.s32 $0x186C8;
	s29 =	simm.s32 $0x4  }
0x7: {  	s30 =	simm.s32 $0x3;
	s5 =	sand.u32 $0x1, s0;
	s2 =	smul.u32 $0x271, s14  }
0x8: {  	s11 =	sshll.u32 s14, $0x1;
	[smem:$0x7FF] =	sst s12;
	s12 =	smul.u32 $0x4E200, s14  }
0x9: {  	s31 =	simm.s32 $0x5;
	s14 =	smul.u32 $0x9C40, s14;
	s0 =	sor.u32 s5, s11  }
0xa: {  	s7 =	smul.u32 $0x2710, s5;
	_ =	strace $0x80000047;
	s9 =	ssub.s32 $0x2, s5  }
0xb: {  	s11 =	smul.u32 $0x4E2, s0;
	s13 =	sshrl.u32 s9, $0x1;
	s15 =	sshrl.u32 s14, $0x2  }
0xc: {  	s16 =	sadd.s32 $0x28, s2;
	s18 =	sadd.s32 $0x50, s2;
	s21 =	sadd.s32 $0x78, s2  }
0xd: {  	s23 =	sadd.s32 $0xA0, s2;
	s26 =	sadd.s32 $0xC8, s2;
	s7 =	sadd.s32 s2, s7  }
0xe: {  	s9 =	ssub.s32 s9, s13;
	s13 =	sshrl.u32 s12, $0x2;
	s17 =	sshll.u32 s16, $0x7  }
0xf: {  	s12 =	sshll.u32 s16, $0x4;
	s19 =	sshll.u32 s18, $0x7;
	s22 =	sshll.u32 s21, $0x7  }
0x10: {  	s24 =	sshll.u32 s23, $0x7;
	s25 =	sshll.u32 s23, $0x4;
	s14 =	sshll.u32 s26, $0x7  }
0x11: {  	s16 =	sadd.s32 $0xF0, s2;
	s0 =	sadd.s32 s11, s6;
	s8 =	sshll.u32 s7, $0x4  }
0x12: {  	s7 =	sshll.u32 s7, $0x1;
	s12 =	sadd.s32 s12, s4;
	s10 =	sadd.s32 s10, s11  }
0x13: {  	s5 =	sadd.s32 s8, s6;
	s8 =	sadd.s32 s7, s6;
	[dreg:$0x7] =	wrdreg s12  }
0x14: {  	s6 =	sadd.s32 s13, s3;
	s13 =	sadd.s32 s17, s3;
	[dreg:$0x10] =	wrdreg s10  }
0x15: {  	s7 =	sadd.s32 s15, s4;
	s12 =	sadd.s32 s19, s3;
	[dreg:$0x6] =	wrdreg s13  }
0x16: {  	s17 =	sshll.u32 s16, $0x7;
	s13 =	sshll.u32 s18, $0x4;
	[dreg:$0x8] =	wrdreg s12  }
0x17: {  	s12 =	sshll.u32 s21, $0x4;
	s18 =	sshll.u32 s16, $0x4;
	s10 =	sadd.s32 s17, s3  }
0x18: {  	s20 =	sadd.s32 s13, s4;
	s13 =	sadd.s32 s22, s3;
	[dreg:$0x11] =	wrdreg s10  }
0x19: {  	s12 =	sadd.s32 s12, s4;
	s19 =	sadd.s32 s18, s4;
	[dreg:$0x9] =	wrdreg s20  }
0x1a: {  	s22 =	sadd.s32 $0x140, s2;
	s18 =	sadd.s32 $0x1E0, s2;
	[dreg:$0xa] =	wrdreg s13  }
0x1b: {  	[dreg:$0xb] =	wrdreg s12;
	s12 =	sadd.s32 s24, s3;
	s13 =	sshll.u32 s26, $0x4  }
0x1c: {  	[dreg:$0x12] =	wrdreg s19;
	s20 =	sadd.s32 $0x118, s2;
	s23 =	sshll.u32 s22, $0x7  }
0x1d: {  	s24 =	sshll.u32 s22, $0x4;
	s19 =	sshll.u32 s18, $0x7;
	[dreg:$0xc] =	wrdreg s12  }
0x1e: {  	s12 =	sadd.s32 s25, s4;
	s15 =	sadd.s32 s13, s4;
	s21 =	sshll.u32 s20, $0x7  }
0x1f: {  	s10 =	sshll.u32 s20, $0x4;
	s25 =	sadd.s32 $0x168, s2;
	[dreg:$0xd] =	wrdreg s12  }
0x20: {  	s13 =	sadd.s32 $0x190, s2;
	s12 =	sadd.s32 s14, s3;
	[dreg:$0xf] =	wrdreg s15  }
0x21: {  	s11 =	sadd.s32 s21, s3;
	s10 =	sadd.s32 s10, s4;
	[dreg:$0xe] =	wrdreg s12  }
0x22: {  	s26 =	sshll.u32 s25, $0x7;
	s14 =	sshll.u32 s13, $0x7;
	[dreg:$0x13] =	wrdreg s11  }
0x23: {  	s15 =	sadd.s32 $0x1B8, s2;
	s21 =	sadd.s32 $0x208, s2;
	[dreg:$0x14] =	wrdreg s10  }
0x24: {  	s10 =	sadd.s32 s23, s3;
	s11 =	sshll.u32 s25, $0x4;
	s16 =	sshll.u32 s15, $0x7  }
0x25: {  	s17 =	sshll.u32 s15, $0x4;
	s22 =	sshll.u32 s21, $0x7;
	s23 =	sadd.s32 $0x230, s2  }
0x26: {  	s2 =	sadd.s32 $0x258, s2;
	s15 =	sadd.s32 $0xB200, s8;
	s8 =	simm.s32 $0x0  }
0x27: {  	[dreg:$0x15] =	wrdreg s10;
	s10 =	sadd.s32 s24, s4;
	s12 =	sadd.s32 s11, s4  }
0x28: {  	s11 =	sadd.s32 s14, s3;
	s24 =	sshll.u32 s23, $0x7;
	s25 =	sshll.u32 s23, $0x4  }
0x29: {  	s14 =	sadd.s32 $0x15000, s5;
	s23 =	simm.s32 $0x1C1B0;
	[dreg:$0x16] =	wrdreg s10  }
0x2a: {  	s5 =	simm.s32 $0x1AD88;
	s10 =	sadd.s32 s26, s3;
	[dreg:$0x18] =	wrdreg s12  }
0x2b: {  	[dreg:$0x19] =	wrdreg s11;
	s11 =	sshll.u32 s18, $0x4;
	s26 =	sshll.u32 s2, $0x7  }
0x2c: {  	s2 =	sshll.u32 s2, $0x4;
	[dreg:$0x17] =	wrdreg s10;
	s20 =	sadd.s32 s11, s4  }
0x2d: {  	s18 =	simm.s32 $0x7;
	s11 =	sadd.s32 s22, s3;
	[dreg:$0x1e] =	wrdreg s20  }
0x2e: {  	s10 =	sshll.u32 s13, $0x4;
	s2 =	sadd.s32 s2, s4;
	[dreg:$0x1f] =	wrdreg s11  }
0x2f: {  	s13 =	sadd.s32 $0x1400, s0;
	s10 =	sadd.s32 s10, s4;
	[smem:$0x7FD] =	sst s2  }
0x30: {  	s22 =	simm.s32 $0x28;
	[dreg:$0x1a] =	wrdreg s10;
	s10 =	sadd.s32 s16, s3  }
0x31: {  	s0 =	simm.s32 $0x1AD60;
	[dreg:$0x1b] =	wrdreg s10;
	s10 =	sadd.s32 s17, s4  }
0x32: {  	s20 =	simm.s32 $0x15F90;
	[dreg:$0x1c] =	wrdreg s10;
	s10 =	sadd.s32 s19, s3  }
0x33: {  	s2 =	simm.s32 $0x6;
	[dreg:$0x1d] =	wrdreg s10;
	s10 =	sshll.u32 s21, $0x4  }
0x34: {  	s16 =	smax.u32 s9, $0x1;
	s17 =	simm.s32 $0x1ADB0;
	s10 =	sadd.s32 s10, s4  }
0x35: {  	s19 =	simm.s32 $0x1E9B0;
	[smem:$0x7F9] =	sst s10;
	s10 =	sadd.s32 s24, s3  }
0x36: {  	s21 =	simm.s32 $0x186A0;
	[smem:$0x7FA] =	sst s10;
	s10 =	sadd.s32 s25, s4  }
0x37: {  	s24 =	simm.s32 $0x1;
	[smem:$0x7FB] =	sst s10;
	s10 =	sadd.s32 s26, s3  }
0x38: {  	v0 =	vimm.f32 $0.0e+00;
	v1 =	vimm.f32 $1.000000000e+00;
	s25 =	simm.s32 $0x1D5B0;
	s26 =	simm.s32 $0x2;
	[smem:$0x7FC] =	sst s10  }
.LBB2_1:
0x39: {  	s10 =	simm.s32 $0x0  }
0x3a: {  	s9 =	sand.u32 $0x7E00, s10  }
0x3b: {  	s10 =	sand.u32 $0x70, s10;
	s11 =	sshrl.u32 s9, $0x2  }
0x3c: {  	s9 =	simm.s32 $0x40;
	s11 =	sor.u32 s10, s11;
	s10 =	simm.s32 $0x0  }
.LBB2_2:
0x3d: {  	p0 =	sne.s32 s9, $0x4FC0  }
0x3e: {  	[tilespmem:s11+$0x1ADB0] =	vst v0;
	s10 =	sadd.s32 $0x10, s10;
	s11 =	smov.u32 s9;
	s9 =	sadd.s32 $0x40, s9  }
.Ltmp0:
0x3f: {  	(pc) =	sbr.rel @p0 .LBB2_2-.Ltmp0, $4  }
0x40: {  	_ = 	snop  }
0x41: {  	s11 =	sand.u32 $0x7E00, s11  }
0x42: {  	s12 =	sand.u32 $0x70, s10;
	s11 =	sshrl.u32 s11, $0x2  }
0x43: {  	s11 =	sor.u32 s12, s11  }
0x44: {  	[tilespmem:s11+$0x1ADB0] =	vst v0  }
0x45: {  	[tilespmem:$0x1E9B0] =	vst v0  }
0x46: {  	[tilespmem:$0x1E9C0] =	vst v0  }
0x47: {  	[tilespmem:$0x1E9D0] =	vst v0  }
0x48: {  	[tilespmem:$0x1E9E0] =	vst v0  }
0x49: {  	[tilespmem:$0x1E9F0] =	vst v0  }
0x4a: {  	[tilespmem:$0x1EA00] =	vst v0  }
0x4b: {  	[tilespmem:$0x1EA10] =	vst v0  }
0x4c: {  	[tilespmem:$0x1EA20] =	vst v0  }
0x4d: {  	[tilespmem:$0x1EA30] =	vst v0  }
0x4e: {  	[tilespmem:$0x1EA40] =	vst v0  }
0x4f: {  	[tilespmem:$0x1EA50] =	vst v0  }
0x50: {  	[tilespmem:$0x1EA60] =	vst v0  }
0x51: {  	[tilespmem:$0x1EA70] =	vst v0  }
0x52: {  	[tilespmem:$0x1EA80] =	vst v0  }
0x53: {  	[tilespmem:$0x1EA90] =	vst v0  }
0x54: {  	[tilespmem:$0x1EAA0] =	vst v0  }
0x55: {  	[tilespmem:$0x1EAB0] =	vst v0  }
0x56: {  	[tilespmem:$0x1EAC0] =	vst v0  }
0x57: {  	[tilespmem:$0x1EAD0] =	vst v0  }
0x58: {  	[tilespmem:$0x1EAE0] =	vst v0  }
0x59: {  	[tilespmem:$0x1EAF0] =	vst v0  }
0x5a: {  	[tilespmem:$0x1EB00] =	vst v0  }
0x5b: {  	[tilespmem:$0x1EB10] =	vst v0  }
0x5c: {  	[tilespmem:$0x1EB20] =	vst v0  }
0x5d: {  	[tilespmem:$0x1EB30] =	vst v0  }
0x5e: {  	[tilespmem:$0x1EB40] =	vst v0  }
0x5f: {  	[tilespmem:$0x1EB50] =	vst v0  }
0x60: {  	[tilespmem:$0x1EB60] =	vst v0  }
0x61: {  	[tilespmem:$0x1EB70] =	vst v0  }
0x62: {  	[tilespmem:$0x1EB80] =	vst v0  }
0x63: {  	[tilespmem:$0x1EB90] =	vst v0  }
0x64: {  	[tilespmem:$0x1EBA0] =	vst v0  }
0x65: {  	[tilespmem:$0x1EBB0] =	vst v0  }
0x66: {  	[tilespmem:$0x1EBC0] =	vst v0  }
0x67: {  	[tilespmem:$0x1EBD0] =	vst v0  }
0x68: {  	[tilespmem:$0x1EBE0] =	vst v0  }
0x69: {  	[tilespmem:$0x1EBF0] =	vst v0  }
0x6a: {  	[tilespmem:$0x1EC00] =	vst v0  }
0x6b: {  	[tilespmem:$0x1EC10] =	vst v0  }
0x6c: {  	[tilespmem:$0x1EC20] =	vst v0  }
0x6d: {  	[spmem:s6] =	stream.linear.scatter [tilespmem:s17], [sflag:$0x7], $0x1400, $0x38;
	[tilespmem:$0x1EC30] =	vst v63  }
0x6e: {  	_ =	swait.ge [sflag:s18], $0x1400  }
0x6f: {  	[sflag:s18] =	ssyncset.done $0x0  }
0x70: {  	[sflag:s18] =	ssyncadd.s32 $0xFFFFEC00  }
0x71: {  	[spmem:s7] =	stream.linear.scatter [tilespmem:s19], [sflag:$0x7], $0x280, $0x38;
	[tilespmem:$0x1EC30] =	vst v63  }
0x72: {  	_ =	swait.ge [sflag:s18], $0x280  }
0x73: {  	[sflag:s18] =	ssyncset.done $0x0  }
0x74: {  	s9 =	rddreg [dreg:$0x6];
	[sflag:s18] =	ssyncadd.s32 $0xFFFFFD80  }
0x75: {  	[spmem:s9] =	stream.linear.scatter [tilespmem:s17], [sflag:$0x7], $0x1400, $0x38;
	[tilespmem:$0x1EC30] =	vst v63  }
0x76: {  	_ =	swait.ge [sflag:s18], $0x1400  }
0x77: {  	[sflag:s18] =	ssyncset.done $0x0  }
0x78: {  	s12 =	rddreg [dreg:$0x7];
	[sflag:s18] =	ssyncadd.s32 $0xFFFFEC00  }
0x79: {  	[spmem:s12] =	stream.linear.scatter [tilespmem:s19], [sflag:$0x7], $0x280, $0x38;
	[tilespmem:$0x1EC30] =	vst v63  }
0x7a: {  	_ =	swait.ge [sflag:s18], $0x280  }
0x7b: {  	[sflag:s18] =	ssyncset.done $0x0  }
0x7c: {  	s10 =	rddreg [dreg:$0x8];
	[sflag:s18] =	ssyncadd.s32 $0xFFFFFD80  }
0x7d: {  	[spmem:s10] =	stream.linear.scatter [tilespmem:s17], [sflag:$0x7], $0x1400, $0x38;
	[tilespmem:$0x1EC30] =	vst v63  }
0x7e: {  	_ =	swait.ge [sflag:s18], $0x1400  }
0x7f: {  	[sflag:s18] =	ssyncset.done $0x0  }
0x80: {  	s11 =	rddreg [dreg:$0x9];
	[sflag:s18] =	ssyncadd.s32 $0xFFFFEC00  }
0x81: {  	[spmem:s11] =	stream.linear.scatter [tilespmem:s19], [sflag:$0x7], $0x280, $0x38;
	[tilespmem:$0x1EC30] =	vst v63  }
0x82: {  	_ =	swait.ge [sflag:s18], $0x280  }
0x83: {  	[sflag:s18] =	ssyncset.done $0x0  }
0x84: {  	s12 =	rddreg [dreg:$0xa];
	[sflag:s18] =	ssyncadd.s32 $0xFFFFFD80  }
0x85: {  	[spmem:s12] =	stream.linear.scatter [tilespmem:s17], [sflag:$0x7], $0x1400, $0x38;
	[tilespmem:$0x1EC30] =	vst v63  }
0x86: {  	_ =	swait.ge [sflag:s18], $0x1400  }
0x87: {  	[sflag:s18] =	ssyncset.done $0x0  }
0x88: {  	s10 =	rddreg [dreg:$0xb];
	[sflag:s18] =	ssyncadd.s32 $0xFFFFEC00  }
0x89: {  	[spmem:s10] =	stream.linear.scatter [tilespmem:s19], [sflag:$0x7], $0x280, $0x38;
	[tilespmem:$0x1EC30] =	vst v63  }
0x8a: {  	_ =	swait.ge [sflag:s18], $0x280  }
0x8b: {  	[sflag:s18] =	ssyncset.done $0x0  }
0x8c: {  	s11 =	rddreg [dreg:$0xc];
	[sflag:s18] =	ssyncadd.s32 $0xFFFFFD80  }
0x8d: {  	[spmem:s11] =	stream.linear.scatter [tilespmem:s17], [sflag:$0x7], $0x1400, $0x38;
	[tilespmem:$0x1EC30] =	vst v63  }
0x8e: {  	_ =	swait.ge [sflag:s18], $0x1400  }
0x8f: {  	[sflag:s18] =	ssyncset.done $0x0  }
0x90: {  	s12 =	rddreg [dreg:$0xd];
	[sflag:s18] =	ssyncadd.s32 $0xFFFFEC00  }
0x91: {  	[spmem:s12] =	stream.linear.scatter [tilespmem:s19], [sflag:$0x7], $0x280, $0x38;
	[tilespmem:$0x1EC30] =	vst v63  }
0x92: {  	_ =	swait.ge [sflag:s18], $0x280  }
0x93: {  	[sflag:s18] =	ssyncset.done $0x0  }
0x94: {  	s10 =	rddreg [dreg:$0xe];
	[sflag:s18] =	ssyncadd.s32 $0xFFFFFD80  }
0x95: {  	[spmem:s10] =	stream.linear.scatter [tilespmem:s17], [sflag:$0x7], $0x1400, $0x38;
	[tilespmem:$0x1EC30] =	vst v63  }
0x96: {  	_ =	swait.ge [sflag:s18], $0x1400  }
0x97: {  	[sflag:s18] =	ssyncset.done $0x0  }
0x98: {  	s11 =	rddreg [dreg:$0xf];
	[sflag:s18] =	ssyncadd.s32 $0xFFFFEC00  }
0x99: {  	[spmem:s11] =	stream.linear.scatter [tilespmem:s19], [sflag:$0x7], $0x280, $0x38;
	[tilespmem:$0x1EC30] =	vst v63  }
0x9a: {  	_ =	swait.ge [sflag:s18], $0x280  }
0x9b: {  	[sflag:s18] =	ssyncset.done $0x0  }
0x9c: {  	s12 =	rddreg [dreg:$0x11];
	[sflag:s18] =	ssyncadd.s32 $0xFFFFFD80  }
0x9d: {  	[spmem:s12] =	stream.linear.scatter [tilespmem:s17], [sflag:$0x7], $0x1400, $0x38;
	[tilespmem:$0x1EC30] =	vst v63  }
0x9e: {  	_ =	swait.ge [sflag:s18], $0x1400  }
0x9f: {  	[sflag:s18] =	ssyncset.done $0x0  }
0xa0: {  	s10 =	rddreg [dreg:$0x12];
	[sflag:s18] =	ssyncadd.s32 $0xFFFFEC00  }
0xa1: {  	[spmem:s10] =	stream.linear.scatter [tilespmem:s19], [sflag:$0x7], $0x280, $0x38;
	[tilespmem:$0x1EC30] =	vst v63  }
0xa2: {  	_ =	swait.ge [sflag:s18], $0x280  }
0xa3: {  	[sflag:s18] =	ssyncset.done $0x0  }
0xa4: {  	s11 =	rddreg [dreg:$0x13];
	[sflag:s18] =	ssyncadd.s32 $0xFFFFFD80  }
0xa5: {  	[spmem:s11] =	stream.linear.scatter [tilespmem:s17], [sflag:$0x7], $0x1400, $0x38;
	[tilespmem:$0x1EC30] =	vst v63  }
0xa6: {  	_ =	swait.ge [sflag:s18], $0x1400  }
0xa7: {  	[sflag:s18] =	ssyncset.done $0x0  }
0xa8: {  	s12 =	rddreg [dreg:$0x14];
	[sflag:s18] =	ssyncadd.s32 $0xFFFFEC00  }
0xa9: {  	[spmem:s12] =	stream.linear.scatter [tilespmem:s19], [sflag:$0x7], $0x280, $0x38;
	[tilespmem:$0x1EC30] =	vst v63  }
0xaa: {  	_ =	swait.ge [sflag:s18], $0x280  }
0xab: {  	[sflag:s18] =	ssyncset.done $0x0  }
0xac: {  	s10 =	rddreg [dreg:$0x15];
	[sflag:s18] =	ssyncadd.s32 $0xFFFFFD80  }
0xad: {  	[spmem:s10] =	stream.linear.scatter [tilespmem:s17], [sflag:$0x7], $0x1400, $0x38;
	[tilespmem:$0x1EC30] =	vst v63  }
0xae: {  	_ =	swait.ge [sflag:s18], $0x1400  }
0xaf: {  	[sflag:s18] =	ssyncset.done $0x0  }
0xb0: {  	s11 =	rddreg [dreg:$0x16];
	[sflag:s18] =	ssyncadd.s32 $0xFFFFEC00  }
0xb1: {  	[spmem:s11] =	stream.linear.scatter [tilespmem:s19], [sflag:$0x7], $0x280, $0x38;
	[tilespmem:$0x1EC30] =	vst v63  }
0xb2: {  	_ =	swait.ge [sflag:s18], $0x280  }
0xb3: {  	[sflag:s18] =	ssyncset.done $0x0  }
0xb4: {  	s12 =	rddreg [dreg:$0x17];
	[sflag:s18] =	ssyncadd.s32 $0xFFFFFD80  }
0xb5: {  	[spmem:s12] =	stream.linear.scatter [tilespmem:s17], [sflag:$0x7], $0x1400, $0x38;
	[tilespmem:$0x1EC30] =	vst v63  }
0xb6: {  	_ =	swait.ge [sflag:s18], $0x1400  }
0xb7: {  	[sflag:s18] =	ssyncset.done $0x0  }
0xb8: {  	s10 =	rddreg [dreg:$0x18];
	[sflag:s18] =	ssyncadd.s32 $0xFFFFEC00  }
0xb9: {  	[spmem:s10] =	stream.linear.scatter [tilespmem:s19], [sflag:$0x7], $0x280, $0x38;
	[tilespmem:$0x1EC30] =	vst v63  }
0xba: {  	_ =	swait.ge [sflag:s18], $0x280  }
0xbb: {  	[sflag:s18] =	ssyncset.done $0x0  }
0xbc: {  	s11 =	rddreg [dreg:$0x19];
	[sflag:s18] =	ssyncadd.s32 $0xFFFFFD80  }
0xbd: {  	[spmem:s11] =	stream.linear.scatter [tilespmem:s17], [sflag:$0x7], $0x1400, $0x38;
	[tilespmem:$0x1EC30] =	vst v63  }
0xbe: {  	_ =	swait.ge [sflag:s18], $0x1400  }
0xbf: {  	[sflag:s18] =	ssyncset.done $0x0  }
0xc0: {  	s12 =	rddreg [dreg:$0x1a];
	[sflag:s18] =	ssyncadd.s32 $0xFFFFEC00  }
0xc1: {  	[spmem:s12] =	stream.linear.scatter [tilespmem:s19], [sflag:$0x7], $0x280, $0x38;
	[tilespmem:$0x1EC30] =	vst v63  }
0xc2: {  	_ =	swait.ge [sflag:s18], $0x280  }
0xc3: {  	[sflag:s18] =	ssyncset.done $0x0  }
0xc4: {  	s10 =	rddreg [dreg:$0x1b];
	[sflag:s18] =	ssyncadd.s32 $0xFFFFFD80  }
0xc5: {  	[spmem:s10] =	stream.linear.scatter [tilespmem:s17], [sflag:$0x7], $0x1400, $0x38;
	[tilespmem:$0x1EC30] =	vst v63  }
0xc6: {  	_ =	swait.ge [sflag:s18], $0x1400  }
0xc7: {  	[sflag:s18] =	ssyncset.done $0x0  }
0xc8: {  	s11 =	rddreg [dreg:$0x1c];
	[sflag:s18] =	ssyncadd.s32 $0xFFFFEC00  }
0xc9: {  	[spmem:s11] =	stream.linear.scatter [tilespmem:s19], [sflag:$0x7], $0x280, $0x38;
	[tilespmem:$0x1EC30] =	vst v63  }
0xca: {  	_ =	swait.ge [sflag:s18], $0x280  }
0xcb: {  	[sflag:s18] =	ssyncset.done $0x0  }
0xcc: {  	s12 =	rddreg [dreg:$0x1d];
	[sflag:s18] =	ssyncadd.s32 $0xFFFFFD80  }
0xcd: {  	[spmem:s12] =	stream.linear.scatter [tilespmem:s17], [sflag:$0x7], $0x1400, $0x38;
	[tilespmem:$0x1EC30] =	vst v63  }
0xce: {  	_ =	swait.ge [sflag:s18], $0x1400  }
0xcf: {  	[sflag:s18] =	ssyncset.done $0x0  }
0xd0: {  	s10 =	rddreg [dreg:$0x1e];
	[sflag:s18] =	ssyncadd.s32 $0xFFFFEC00  }
0xd1: {  	[spmem:s10] =	stream.linear.scatter [tilespmem:s19], [sflag:$0x7], $0x280, $0x38;
	[tilespmem:$0x1EC30] =	vst v63  }
0xd2: {  	_ =	swait.ge [sflag:s18], $0x280  }
0xd3: {  	[sflag:s18] =	ssyncset.done $0x0  }
0xd4: {  	s11 =	rddreg [dreg:$0x1f];
	[sflag:s18] =	ssyncadd.s32 $0xFFFFFD80  }
0xd5: {  	[spmem:s11] =	stream.linear.scatter [tilespmem:s17], [sflag:$0x7], $0x1400, $0x38;
	[tilespmem:$0x1EC30] =	vst v63  }
0xd6: {  	_ =	swait.ge [sflag:s18], $0x1400  }
0xd7: {  	s12 =	sld [smem:$0x7F9]  }
0xd8: {  	[sflag:s18] =	ssyncset.done $0x0  }
0xd9: {  	[sflag:s18] =	ssyncadd.s32 $0xFFFFEC00  }
0xda: {  	[spmem:s12] =	stream.linear.scatter [tilespmem:s19], [sflag:$0x7], $0x280, $0x38;
	[tilespmem:$0x1EC30] =	vst v63  }
0xdb: {  	_ =	swait.ge [sflag:s18], $0x280  }
0xdc: {  	s10 =	sld [smem:$0x7FA]  }
0xdd: {  	[sflag:s18] =	ssyncset.done $0x0  }
0xde: {  	[sflag:s18] =	ssyncadd.s32 $0xFFFFFD80  }
0xdf: {  	[spmem:s10] =	stream.linear.scatter [tilespmem:s17], [sflag:$0x7], $0x1400, $0x38;
	[tilespmem:$0x1EC30] =	vst v63  }
0xe0: {  	_ =	swait.ge [sflag:s18], $0x1400  }
0xe1: {  	s11 =	sld [smem:$0x7FB]  }
0xe2: {  	[sflag:s18] =	ssyncset.done $0x0  }
0xe3: {  	[sflag:s18] =	ssyncadd.s32 $0xFFFFEC00  }
0xe4: {  	[spmem:s11] =	stream.linear.scatter [tilespmem:s19], [sflag:$0x7], $0x280, $0x38;
	[tilespmem:$0x1EC30] =	vst v63  }
0xe5: {  	_ =	swait.ge [sflag:s18], $0x280  }
0xe6: {  	s12 =	sld [smem:$0x7FC]  }
0xe7: {  	[sflag:s18] =	ssyncset.done $0x0  }
0xe8: {  	[sflag:s18] =	ssyncadd.s32 $0xFFFFFD80  }
0xe9: {  	[spmem:s12] =	stream.linear.scatter [tilespmem:s17], [sflag:$0x7], $0xC80, $0x38;
	[tilespmem:$0x1EC30] =	vst v63  }
0xea: {  	_ =	swait.ge [sflag:s18], $0xC80  }
0xeb: {  	s10 =	sld [smem:$0x7FD]  }
0xec: {  	[sflag:s18] =	ssyncset.done $0x0  }
0xed: {  	[sflag:s18] =	ssyncadd.s32 $0xFFFFF380  }
0xee: {  	[spmem:s10] =	stream.linear.scatter [tilespmem:s19], [sflag:$0x7], $0x190, $0x38;
	[tilespmem:$0x1EC30] =	vst v63  }
0xef: {  	_ =	swait.ge [sflag:s18], $0x190  }
0xf0: {  	[sflag:s18] =	ssyncset.done $0x0  }
0xf1: {  	[sflag:s18] =	ssyncadd.s32 $0xFFFFFE70  }
0xf2: {  	[tilespmem:$0x1E9B0] =	vst v1  }
0xf3: {  	[tilespmem:$0x1E9C0] =	vst v1  }
0xf4: {  	[tilespmem:$0x1E9D0] =	vst v1  }
0xf5: {  	[tilespmem:$0x1E9E0] =	vst v1  }
0xf6: {  	[tilespmem:$0x1E9F0] =	vst v1  }
0xf7: {  	[tilespmem:$0x1EA00] =	vst v1  }
0xf8: {  	[tilespmem:$0x1EA10] =	vst v1  }
0xf9: {  	[tilespmem:$0x1EA20] =	vst v1  }
0xfa: {  	[tilespmem:$0x1EA30] =	vst v1  }
0xfb: {  	[tilespmem:$0x1EA40] =	vst v1  }
0xfc: {  	[tilespmem:$0x1EA50] =	vst v1  }
0xfd: {  	[tilespmem:$0x1EA60] =	vst v1  }
0xfe: {  	[tilespmem:$0x1EA70] =	vst v1  }
0xff: {  	[tilespmem:$0x1EA80] =	vst v1  }
0x100: {  	[tilespmem:$0x1EA90] =	vst v1  }
0x101: {  	[tilespmem:$0x1EAA0] =	vst v1  }
0x102: {  	[tilespmem:$0x1EAB0] =	vst v1  }
0x103: {  	[tilespmem:$0x1EAC0] =	vst v1  }
0x104: {  	[tilespmem:$0x1EAD0] =	vst v1  }
0x105: {  	[tilespmem:$0x1EAE0] =	vst v1  }
0x106: {  	[tilespmem:$0x1EAF0] =	vst v1  }
0x107: {  	[tilespmem:$0x1EB00] =	vst v1  }
0x108: {  	[tilespmem:$0x1EB10] =	vst v1  }
0x109: {  	[tilespmem:$0x1EB20] =	vst v1  }
0x10a: {  	[tilespmem:$0x1EB30] =	vst v1  }
0x10b: {  	[tilespmem:$0x1EB40] =	vst v1  }
0x10c: {  	[tilespmem:$0x1EB50] =	vst v1  }
0x10d: {  	[tilespmem:$0x1EB60] =	vst v1  }
0x10e: {  	[tilespmem:$0x1EB70] =	vst v1  }
0x10f: {  	[tilespmem:$0x1EB80] =	vst v1  }
0x110: {  	[tilespmem:$0x1EB90] =	vst v1  }
0x111: {  	[tilespmem:$0x1EBA0] =	vst v1  }
0x112: {  	[tilespmem:$0x1EBB0] =	vst v1  }
0x113: {  	[tilespmem:$0x1EBC0] =	vst v1  }
0x114: {  	[tilespmem:$0x1EBD0] =	vst v1  }
0x115: {  	[tilespmem:$0x1EBE0] =	vst v1  }
0x116: {  	[tilespmem:$0x1EBF0] =	vst v1  }
0x117: {  	[tilespmem:$0x1EC00] =	vst v1  }
0x118: {  	[tilespmem:$0x1EC10] =	vst v1  }
0x119: {  	s11 =	simm.s32 $0x0;
	[tilespmem:$0x1EC20] =	vst v1  }
0x11a: {  	[tilespmem:s20], [sflag:$0x7] =	stream.linear.gather [hbm4b:s13+s11], $0x2710, $0x38;
	[tilespmem:$0x1EC30] =	vst v63  }
0x11b: {  	_ =	swait.ge [sflag:s18], $0x2710  }
0x11c: {  	[sflag:s18] =	ssyncset.done $0x0  }
0x11d: {  	s10 =	rddreg [dreg:$0x10];
	[sflag:s18] =	ssyncadd.s32 $0xFFFFD8F0  }
0x11e: {  	[tilespmem:s21], [sflag:$0x7] =	stream.linear.gather [hbm4b:s10+s11], $0x2710, $0x38;
	[tilespmem:$0x1EC30] =	vst v63  }
0x11f: {  	_ =	swait.ge [sflag:s18], $0x2710  }
0x120: {  	[sflag:s18] =	ssyncset.done $0x0  }
0x121: {  	[sflag:s18] =	ssyncadd.s32 $0xFFFFD8F0  }
0x122: {  	[tilespmem:s17], [sflag:$0x1] =	stream.indirect.gather [hbm4b:s1+s22], $0x80, s20, s22, $0xb8;
	[tilespmem:$0x1EC30] =	vst v63  }
0x123: {  	s12 =	simm.s32 $0x15FB8;
	[bflag:$0x0] =	sbarrier.arrive $0xFFFF  }
0x124: {  	[tilespmem:s23], [sflag:$0x2] =	stream.indirect.gather [hbm4b:s1+s22], $0x80, s12, s22, $0xb8;
	[tilespmem:$0x1EC30] =	vst v63  }
0x125: {  	_ =	swait.ge [sflag:s24], $0x1400  }
0x126: {  	[sflag:s24] =	ssyncset.done $0x0  }
0x127: {  	[sflag:s24] =	ssyncadd.s32 $0xFFFFEC00  }
0x128: {  	[spmem:s3] =	stream.indirect.scatter.add.f32 [tilespmem:s17], [sflag:$0x4], $0x80, s21, s22, $0xb8;
	[tilespmem:$0x1EC30] =	vst v63  }
0x129: {  	_ = 	snop  }
0x12a: {  	[spmem:s4] =	stream.indirect.scatter.add.f32 [tilespmem:s19], [sflag:$0x4], $0x10, s21, s22, $0xb8;
	[tilespmem:$0x1EC30] =	vst v63  }
0x12b: {  	s10 =	simm.s32 $0x15FE0  }
0x12c: {  	[tilespmem:s25], [sflag:$0x3] =	stream.indirect.gather [hbm4b:s1+s22], $0x80, s10, s22, $0xb8;
	[tilespmem:$0x1EC30] =	vst v63  }
0x12d: {  	_ =	swait.ge [sflag:s26], $0x1400  }
0x12e: {  	[sflag:s26] =	ssyncset.done $0x0  }
0x12f: {  	[sflag:s26] =	ssyncadd.s32 $0xFFFFEC00  }
0x130: {  	[spmem:s3] =	stream.indirect.scatter.add.f32 [tilespmem:s23], [sflag:$0x5], $0x80, s28, s22, $0xb8;
	[tilespmem:$0x1EC30] =	vst v63  }
0x131: {  	_ = 	snop  }
0x132: {  	[spmem:s4] =	stream.indirect.scatter.add.f32 [tilespmem:s19], [sflag:$0x5], $0x10, s28, s22, $0xb8;
	[tilespmem:$0x1EC30] =	vst v63  }
0x133: {  	_ =	swait.ge [sflag:s29], $0x1400  }
0x134: {  	[sflag:s29] =	ssyncset.done $0x0  }
0x135: {  	[sflag:s29] =	ssyncadd.s32 $0xFFFFEC00  }
0x136: {  	_ =	swait.ge [sflag:s29], $0x280  }
0x137: {  	[sflag:s29] =	ssyncset.done $0x0  }
0x138: {  	s11 =	simm.s32 $0x16008;
	[sflag:s29] =	ssyncadd.s32 $0xFFFFFD80  }
0x139: {  	[tilespmem:s17], [sflag:$0x1] =	stream.indirect.gather [hbm4b:s1+s22], $0x80, s11, s22, $0xb8;
	[tilespmem:$0x1EC30] =	vst v63  }
0x13a: {  	_ =	swait.ge [sflag:s30], $0x1400  }
0x13b: {  	[sflag:s30] =	ssyncset.done $0x0  }
0x13c: {  	s12 =	simm.s32 $0x186F0;
	[sflag:s30] =	ssyncadd.s32 $0xFFFFEC00  }
0x13d: {  	[spmem:s3] =	stream.indirect.scatter.add.f32 [tilespmem:s25], [sflag:$0x6], $0x80, s12, s22, $0xb8;
	[tilespmem:$0x1EC30] =	vst v63  }
0x13e: {  	_ = 	snop  }
0x13f: {  	[spmem:s4] =	stream.indirect.scatter.add.f32 [tilespmem:s19], [sflag:$0x6], $0x10, s12, s22, $0xb8;
	[tilespmem:$0x1EC30] =	vst v63  }
0x140: {  	_ =	swait.ge [sflag:s31], $0x1400  }
0x141: {  	[sflag:s31] =	ssyncset.done $0x0  }
0x142: {  	[sflag:s31] =	ssyncadd.s32 $0xFFFFEC00  }
0x143: {  	_ =	swait.ge [sflag:s31], $0x280  }
0x144: {  	[sflag:s31] =	ssyncset.done $0x0  }
0x145: {  	s10 =	simm.s32 $0x16030;
	[sflag:s31] =	ssyncadd.s32 $0xFFFFFD80  }
0x146: {  	[tilespmem:s23], [sflag:$0x2] =	stream.indirect.gather [hbm4b:s1+s22], $0x80, s10, s22, $0xb8;
	[tilespmem:$0x1EC30] =	vst v63  }
0x147: {  	_ =	swait.ge [sflag:s24], $0x1400  }
0x148: {  	[sflag:s24] =	ssyncset.done $0x0  }
0x149: {  	s11 =	simm.s32 $0x18718;
	[sflag:s24] =	ssyncadd.s32 $0xFFFFEC00  }
0x14a: {  	[spmem:s3] =	stream.indirect.scatter.add.f32 [tilespmem:s17], [sflag:$0x4], $0x80, s11, s22, $0xb8;
	[tilespmem:$0x1EC30] =	vst v63  }
0x14b: {  	_ = 	snop  }
0x14c: {  	[spmem:s4] =	stream.indirect.scatter.add.f32 [tilespmem:s19], [sflag:$0x4], $0x10, s11, s22, $0xb8;
	[tilespmem:$0x1EC30] =	vst v63  }
0x14d: {  	_ =	swait.ge [sflag:s2], $0x1400  }
0x14e: {  	[sflag:s2] =	ssyncset.done $0x0  }
0x14f: {  	[sflag:s2] =	ssyncadd.s32 $0xFFFFEC00  }
0x150: {  	_ =	swait.ge [sflag:s2], $0x280  }
0x151: {  	[sflag:s2] =	ssyncset.done $0x0  }
0x152: {  	s12 =	simm.s32 $0x16058;
	[sflag:s2] =	ssyncadd.s32 $0xFFFFFD80  }
0x153: {  	[tilespmem:s25], [sflag:$0x3] =	stream.indirect.gather [hbm4b:s1+s22], $0x80, s12, s22, $0xb8;
	[tilespmem:$0x1EC30] =	vst v63  }
0x154: {  	_ =	swait.ge [sflag:s26], $0x1400  }
0x155: {  	[sflag:s26] =	ssyncset.done $0x0  }
0x156: {  	s9 =	simm.s32 $0x1E0;
	s10 =	simm.s32 $0x18740;
	[sflag:s26] =	ssyncadd.s32 $0xFFFFEC00  }
0x157: {  	[spmem:s3] =	stream.indirect.scatter.add.f32 [tilespmem:s23], [sflag:$0x5], $0x80, s10, s22, $0xb8;
	[tilespmem:$0x1EC30] =	vst v63  }
.LBB2_4:
0x158: {  	[spmem:s4] =	stream.indirect.scatter.add.f32 [tilespmem:s19], [sflag:$0x5], $0x10, s10, s22, $0xb8;
	[tilespmem:$0x1EC30] =	vst v63  }
0x159: {  	s10 =	smov.u32 s9  }
0x15a: {  	p0 =	sne.s32 s9, $0x97E0;
	s9 =	sadd.s32 $0x1E0, s9;
	_ =	swait.ge [sflag:s29], $0x1400  }
0x15b: {  	[sflag:s29] =	ssyncset.done $0x0  }
0x15c: {  	[sflag:s29] =	ssyncadd.s32 $0xFFFFEC00  }
0x15d: {  	_ =	swait.ge [sflag:s29], $0x280  }
0x15e: {  	s10 =	sshra.s32 s10, $0x2;
	[sflag:s29] =	ssyncset.done $0x0  }
0x15f: {  	s11 =	sadd.s32 $0x16008, s10;
	[sflag:s29] =	ssyncadd.s32 $0xFFFFFD80  }
0x160: {  	[tilespmem:s17], [sflag:$0x1] =	stream.indirect.gather [hbm4b:s1+s22], $0x80, s11, s22, $0xb8;
	[tilespmem:$0x1EC30] =	vst v63  }
0x161: {  	_ =	swait.ge [sflag:s30], $0x1400  }
0x162: {  	[sflag:s30] =	ssyncset.done $0x0  }
0x163: {  	s11 =	sadd.s32 $0x186F0, s10;
	[sflag:s30] =	ssyncadd.s32 $0xFFFFEC00  }
0x164: {  	[spmem:s3] =	stream.indirect.scatter.add.f32 [tilespmem:s25], [sflag:$0x6], $0x80, s11, s22, $0xb8;
	[tilespmem:$0x1EC30] =	vst v63  }
0x165: {  	_ = 	snop  }
0x166: {  	[spmem:s4] =	stream.indirect.scatter.add.f32 [tilespmem:s19], [sflag:$0x6], $0x10, s11, s22, $0xb8;
	[tilespmem:$0x1EC30] =	vst v63  }
0x167: {  	_ =	swait.ge [sflag:s31], $0x1400  }
0x168: {  	[sflag:s31] =	ssyncset.done $0x0  }
0x169: {  	[sflag:s31] =	ssyncadd.s32 $0xFFFFEC00  }
0x16a: {  	_ =	swait.ge [sflag:s31], $0x280  }
0x16b: {  	[sflag:s31] =	ssyncset.done $0x0  }
0x16c: {  	s11 =	sadd.s32 $0x16030, s10;
	[sflag:s31] =	ssyncadd.s32 $0xFFFFFD80  }
0x16d: {  	[tilespmem:s23], [sflag:$0x2] =	stream.indirect.gather [hbm4b:s1+s22], $0x80, s11, s22, $0xb8;
	[tilespmem:$0x1EC30] =	vst v63  }
0x16e: {  	_ =	swait.ge [sflag:s24], $0x1400  }
0x16f: {  	[sflag:s24] =	ssyncset.done $0x0  }
0x170: {  	s11 =	sadd.s32 $0x18718, s10;
	[sflag:s24] =	ssyncadd.s32 $0xFFFFEC00  }
0x171: {  	[spmem:s3] =	stream.indirect.scatter.add.f32 [tilespmem:s17], [sflag:$0x4], $0x80, s11, s22, $0xb8;
	[tilespmem:$0x1EC30] =	vst v63  }
0x172: {  	_ = 	snop  }
0x173: {  	[spmem:s4] =	stream.indirect.scatter.add.f32 [tilespmem:s19], [sflag:$0x4], $0x10, s11, s22, $0xb8;
	[tilespmem:$0x1EC30] =	vst v63  }
0x174: {  	_ =	swait.ge [sflag:s2], $0x1400  }
0x175: {  	[sflag:s2] =	ssyncset.done $0x0  }
0x176: {  	[sflag:s2] =	ssyncadd.s32 $0xFFFFEC00  }
0x177: {  	_ =	swait.ge [sflag:s2], $0x280  }
0x178: {  	[sflag:s2] =	ssyncset.done $0x0  }
0x179: {  	s11 =	sadd.s32 $0x16058, s10;
	[sflag:s2] =	ssyncadd.s32 $0xFFFFFD80  }
0x17a: {  	[tilespmem:s25], [sflag:$0x3] =	stream.indirect.gather [hbm4b:s1+s22], $0x80, s11, s22, $0xb8;
	[tilespmem:$0x1EC30] =	vst v63  }
.Ltmp1:
0x17b: {  	_ = 	snop;
	(pc) =	sbr.rel @p0 .LBB2_4-.Ltmp1, $4  }
0x17c: {  	_ =	swait.ge [sflag:s26], $0x1400  }
0x17d: {  	[sflag:s26] =	ssyncset.done $0x0  }
0x17e: {  	s10 =	sadd.s32 $0x18740, s10;
	[sflag:s26] =	ssyncadd.s32 $0xFFFFEC00  }
0x17f: {  	[spmem:s3] =	stream.indirect.scatter.add.f32 [tilespmem:s23], [sflag:$0x5], $0x80, s10, s22, $0xb8;
	[tilespmem:$0x1EC30] =	vst v63  }
0x180: {  	[spmem:s4] =	stream.indirect.scatter.add.f32 [tilespmem:s19], [sflag:$0x5], $0x10, s10, s22, $0xb8;
	[tilespmem:$0x1EC30] =	vst v63  }
0x181: {  	_ =	swait.ge [sflag:s29], $0x1400  }
0x182: {  	[sflag:s29] =	ssyncset.done $0x0  }
0x183: {  	[sflag:s29] =	ssyncadd.s32 $0xFFFFEC00  }
0x184: {  	_ =	swait.ge [sflag:s29], $0x280  }
0x185: {  	[sflag:s29] =	ssyncset.done $0x0  }
0x186: {  	s9 =	simm.s32 $0x18678;
	[sflag:s29] =	ssyncadd.s32 $0xFFFFFD80  }
0x187: {  	[tilespmem:s17], [sflag:$0x1] =	stream.indirect.gather [hbm4b:s1+s22], $0x80, s9, s22, $0xb8;
	[tilespmem:$0x1EC30] =	vst v63  }
0x188: {  	_ =	swait.ge [sflag:s30], $0x1400  }
0x189: {  	[sflag:s30] =	ssyncset.done $0x0  }
0x18a: {  	[sflag:s30] =	ssyncadd.s32 $0xFFFFEC00  }
0x18b: {  	[spmem:s3] =	stream.indirect.scatter.add.f32 [tilespmem:s25], [sflag:$0x6], $0x80, s0, s22, $0xb8;
	[tilespmem:$0x1EC30] =	vst v63  }
0x18c: {  	_ = 	snop  }
0x18d: {  	[spmem:s4] =	stream.indirect.scatter.add.f32 [tilespmem:s19], [sflag:$0x6], $0x10, s0, s22, $0xb8;
	[tilespmem:$0x1EC30] =	vst v63  }
0x18e: {  	_ =	swait.ge [sflag:s31], $0x1400  }
0x18f: {  	[sflag:s31] =	ssyncset.done $0x0  }
0x190: {  	[sflag:s31] =	ssyncadd.s32 $0xFFFFEC00  }
0x191: {  	_ =	swait.ge [sflag:s31], $0x280  }
0x192: {  	[sflag:s31] =	ssyncset.done $0x0  }
0x193: {  	[sflag:s31] =	ssyncadd.s32 $0xFFFFFD80  }
0x194: {  	_ =	swait.ge [sflag:s24], $0x1400  }
0x195: {  	[sflag:s24] =	ssyncset.done $0x0  }
0x196: {  	[sflag:s24] =	ssyncadd.s32 $0xFFFFEC00  }
0x197: {  	[spmem:s3] =	stream.indirect.scatter.add.f32 [tilespmem:s17], [sflag:$0x4], $0x80, s5, s22, $0xb8;
	[tilespmem:$0x1EC30] =	vst v63  }
0x198: {  	_ = 	snop  }
0x199: {  	[spmem:s4] =	stream.indirect.scatter.add.f32 [tilespmem:s19], [sflag:$0x4], $0x10, s5, s22, $0xb8;
	[tilespmem:$0x1EC30] =	vst v63  }
0x19a: {  	_ =	swait.ge [sflag:s2], $0x1400  }
0x19b: {  	[sflag:s2] =	ssyncset.done $0x0  }
0x19c: {  	[sflag:s2] =	ssyncadd.s32 $0xFFFFEC00  }
0x19d: {  	_ =	swait.ge [sflag:s2], $0x280  }
0x19e: {  	[sflag:s2] =	ssyncset.done $0x0  }
0x19f: {  	[sflag:s2] =	ssyncadd.s32 $0xFFFFFD80  }
0x1a0: {  	_ =	swait.ge [sflag:s29], $0x1400  }
0x1a1: {  	[sflag:s29] =	ssyncset.done $0x0  }
0x1a2: {  	[sflag:s29] =	ssyncadd.s32 $0xFFFFEC00  }
0x1a3: {  	_ =	swait.ge [sflag:s29], $0x280  }
0x1a4: {  	s10 =	stileid.u32;
	[sflag:s29] =	ssyncset.done $0x0  }
0x1a5: {  	s9 =	sshll.u32 s10, $0x6;
	[sflag:s29] =	ssyncadd.s32 $0xFFFFFD80  }
0x1a6: {  	s11 =	sshrl.u32 s6, $0x3;
	s9 =	sor.u32 $0x1C07, s9;
	[bflag:$0x0] =	sbarrier.arrive $0xFFFF  }
0x1a7: {  	[hbm:s14], [sflag:s9] =	dma.local [spmem:s11], $0x2710  }
0x1a8: {  	s8 =	sadd.s32 $0x1, s8;
	_ =	swait.ge [sflag:s18], $0x2710  }
0x1a9: {  	p0 =	sne.s32 s8, s16;
	[sflag:s18] =	ssyncset.done $0x0  }
.Ltmp2:
0x1aa: {  	s12 =	sshrl.u32 s7, $0x3;
	[sflag:s18] =	ssyncadd.s32 $0xFFFFD8F0;
	(pc) =	sbr.rel @p0 .LBB2_1-.Ltmp2, $4  }
0x1ab: {  	[hbm:s15], [sflag:s9] =	dma.local [spmem:s12], $0x4E2  }
0x1ac: {  	_ =	swait.ge [sflag:s18], $0x4E2  }
0x1ad: {  	[sflag:s18] =	ssyncset.done $0x0  }
0x1ae: {  	[sflag:s18] =	ssyncadd.s32 $0xFFFFFB1E  }
0x1af: {  	_ =	sfence.sel $0x180000  }
0x1b0: {  	[bflag:$0x0] =	sbarrier.arrive $0xFFFF  }
0x1b1: {  	_ =	strace $0x90000047  }
0x1b2: {  	s0 =	stileid.u32;
	[bflag:$0x2] =	sbarrier.arrive $0xFFFF  }
0x1b3: {  	p0 =	sne.s32 s0, $0x0;
	s0 =	rddreg [dreg:$0x5]  }
0x1b4: {  	s0 =	sadd.s32 @!p0 $0x100000, s0  }
0x1b5: {  	[sflag:s0] =	ssyncadd.tile.s32 @!p0 $0x1;
	_ =	shalt  }
.Lfunc_end2:
_tile_overlayer_lowered:
.L_overlay_start_2:
0x1b6: {  	(tag) =	ssettag $0x2  }
0x1b7: {  	s0 =	rddreg [dreg:$0x0];
	s2 =	stileid.u32  }
0x1b8: {  	s1 =	rddreg [dreg:$0x1];
	p0 =	sne.s32 s2, $0x0  }
0x1b9: {  	s3 =	rddreg [dreg:$0x2];
	[bflag:$0x3] =	sbarrier.arrive $0xFFFF;
	s2 =	simm.s32 @!p0 $0x1C07  }
0x1ba: {  	[timem:s3], [sflag:s2] =	dma.local @!p0 [hbm:s0], s1  }
0x1bb: {  	s0 =	simm.s32 @!p0 $0x7  }
0x1bc: {  	_ =	swait.ge @!p0 [sflag:s0], s1  }
0x1bd: {  	s1 =	ssub.s32 @!p0 $0x0, s1;
	[sflag:s0] =	ssyncset.done @!p0 $0x0  }
0x1be: {  	[sflag:s0] =	ssyncadd.s32 @!p0 s1  }
0x1bf: {  	[bflag:$0x3] =	sbarrier.arrive $0xFFFF  }
0x1c0: {  	_ =	shalt  }

</sc_bundles>
